<compile_context>
chip_gen: v7x
topology: tpu7x:2x2x1
jax: 0.10.2.dev20260603
libtpu: 0.0.44.dev20260713+nightly
codegen_flags: <defaults>
</compile_context>

<pallas_src>
import functools

import jax
import jax.numpy as jnp
import numpy as np
from jax import lax
from jax.experimental import pallas as pl
from jax.experimental.pallas import tpu as pltpu
from jax.experimental.pallas import tpu_sc as plsc

B, C, H, W = 8, 96, 224, 224
N = H * W
BINS = 10
NBIN = N // BINS
NBINP = 5024
NB_BLOCKS = 2
NBLOCK = N // NB_BLOCKS
NTILES = 4
PER_TILE = N // NTILES
RED_CH = NBINP // 16


def _tc_body(x_ref, t_ref, nll_ref, bin_ref):
    xb = x_ref[0]
    t = t_ref[0]
    m = jnp.max(xb, axis=0, keepdims=True)
    s = jnp.sum(jnp.exp(xb - m), axis=0, keepdims=True)
    cls = lax.broadcasted_iota(jnp.int32, (C, NBLOCK), 0)
    xt = jnp.sum(jnp.where(cls == t, xb, 0.0), axis=0, keepdims=True)
    logp = xt - m - jnp.log(s)
    nll_ref[0] = -logp
    g = jnp.abs(jnp.exp(logp) - 1.0)
    bf = jnp.floor(g * np.float32(NBIN - 0.0001))
    bin_ref[0] = jnp.minimum(bf, NBIN - 1).astype(jnp.int32)


_tc_stats = pl.pallas_call(
    _tc_body,
    grid=(B * NB_BLOCKS,),
    in_specs=[
        pl.BlockSpec((1, C, NBLOCK), lambda i: (i // NB_BLOCKS, 0, i % NB_BLOCKS)),
        pl.BlockSpec((1, 1, NBLOCK), lambda i: (i // NB_BLOCKS, 0, i % NB_BLOCKS)),
    ],
    out_specs=[
        pl.BlockSpec((1, 1, NBLOCK), lambda i: (i // NB_BLOCKS, 0, i % NB_BLOCKS)),
        pl.BlockSpec((1, 1, NBLOCK), lambda i: (i // NB_BLOCKS, 0, i % NB_BLOCKS)),
    ],
    out_shape=[
        jax.ShapeDtypeStruct((B, 1, N), jnp.float32),
        jax.ShapeDtypeStruct((B, 1, N), jnp.int32),
    ],
)


@functools.cache
def _make_sc_kernel():
    mesh = plsc.VectorSubcoreMesh(core_axis_name="c", subcore_axis_name="s")

    @functools.partial(
        pl.kernel,
        out_type=jax.ShapeDtypeStruct((B, 16), jnp.float32),
        mesh=mesh,
        compiler_params=pltpu.CompilerParams(
            needs_layout_passes=False, use_tc_tiling_on_sc=False
        ),
        scratch_types=[
            pltpu.VMEM((16 * NBINP,), jnp.float32),
            pltpu.VMEM((PER_TILE,), jnp.int32),
            pltpu.VMEM((PER_TILE,), jnp.float32),
            pltpu.VMEM((NBINP,), jnp.float32),
            pltpu.VMEM((NBINP,), jnp.float32),
            pltpu.VMEM((NBINP,), jnp.float32),
            pltpu.VMEM((16,), jnp.float32),
            pltpu.VMEM_SHARED((16, 2, NBINP), jnp.float32),
        ],
    )
    def sc_hist(bins_hbm, nll_hbm, out_hbm, repl, binsv, nllv, cpart, spart,
                tmp, outv, shared):
        cid = lax.axis_index("c")
        sid = lax.axis_index("s")
        b = cid * (16 // NTILES) + sid // NTILES
        member = sid % NTILES
        off = b * N + member * PER_TILE

        zero16 = jnp.zeros((16,), jnp.float32)
        ones16 = jnp.full((16,), 1.0, jnp.float32)
        lane = lax.broadcasted_iota(jnp.int32, (16,), 0)

        def zero_body(j, _):
            for u in range(8):
                repl[pl.ds(j * 128 + u * 16, 16)] = zero16
            return 0

        lax.fori_loop(0, 16 * NBINP // 128, zero_body, 0)

        pltpu.sync_copy(bins_hbm.at[pl.ds(off, PER_TILE)], binsv)
        pltpu.sync_copy(nll_hbm.at[pl.ds(off, PER_TILE)], nllv)

        lane_off = lane * NBINP

        def scat_c(i, _):
            for u in range(2):
                idx = binsv[pl.ds(i * 32 + u * 16, 16)]
                plsc.addupdate_scatter(repl, [lane_off + idx], ones16)
            return 0

        lax.fori_loop(0, PER_TILE // 32, scat_c, 0)

        def red_c(k, _):
            for u in range(2):
                base = k * 32 + u * 16
                acc = repl[pl.ds(base, 16)]
                repl[pl.ds(base, 16)] = zero16
                for l in range(1, 16):
                    o = l * NBINP + base
                    acc = acc + repl[pl.ds(o, 16)]
                    repl[pl.ds(o, 16)] = zero16
                cpart[pl.ds(base, 16)] = acc
            return 0

        lax.fori_loop(0, RED_CH // 2, red_c, 0)

        def scat_s(i, _):
            for u in range(2):
                idx = binsv[pl.ds(i * 32 + u * 16, 16)]
                vals = nllv[pl.ds(i * 32 + u * 16, 16)]
                plsc.addupdate_scatter(repl, [lane_off + idx], vals)
            return 0

        lax.fori_loop(0, PER_TILE // 32, scat_s, 0)

        def red_s(k, _):
            for u in range(2):
                base = k * 32 + u * 16
                acc = repl[pl.ds(base, 16)]
                for l in range(1, 16):
                    acc = acc + repl[pl.ds(l * NBINP + base, 16)]
                spart[pl.ds(base, 16)] = acc
            return 0

        lax.fori_loop(0, RED_CH // 2, red_s, 0)

        pltpu.sync_copy(cpart, shared.at[sid, 0])
        pltpu.sync_copy(spart, shared.at[sid, 1])
        plsc.subcore_barrier()

        base_slot = sid - member
        for d in range(1, NTILES):
            peer = base_slot + (member + d) % NTILES
            pltpu.sync_copy(shared.at[peer, 0], tmp)

            def addc(k, _):
                for u in range(2):
                    sl = pl.ds(k * 32 + u * 16, 16)
                    cpart[sl] = cpart[sl] + tmp[sl]
                return 0

            lax.fori_loop(0, RED_CH // 2, addc, 0)
            pltpu.sync_copy(shared.at[peer, 1], tmp)

            def adds(k, _):
                for u in range(2):
                    sl = pl.ds(k * 32 + u * 16, 16)
                    spart[sl] = spart[sl] + tmp[sl]
                return 0

            lax.fori_loop(0, RED_CH // 2, adds, 0)

        @pl.when(member == 0)
        def _():
            def fin(k, carry):
                ne_a, t_a = carry
                for u in range(2):
                    sl = pl.ds(k * 32 + u * 16, 16)
                    cc = cpart[sl]
                    ss = spart[sl]
                    ne_a = ne_a + jnp.where(cc > 0.0, 1.0, 0.0)
                    t_a = t_a + ss / jnp.maximum(cc, 1.0)
                return ne_a, t_a

            ne16, term16 = lax.fori_loop(0, RED_CH // 2, fin, (zero16, zero16))
            term_v = zero16 + jnp.sum(term16)
            ne_v = zero16 + jnp.sum(ne16)
            outv[...] = term_v / ne_v
            pltpu.sync_copy(outv, out_hbm.at[b])

    return sc_hist


def kernel(x, target):
    x3 = x.reshape(B, C, N)
    t3 = target.reshape(B, 1, N)
    nll3, bin3 = _tc_stats(x3, t3)
    per_sample = _make_sc_kernel()(bin3.reshape(-1), nll3.reshape(-1))
    return jnp.mean(per_sample[:, 0])

# --- scband reference (transcript-rebuilt; emitter-appended) ---
"""Pipeline reference for scband-ghmc-loss-36155034697956 (READ-ONLY COPY).

The authoritative reference and input builder live on the scoring server;
editing this copy changes nothing except your own understanding.
"""

import jax, jax.numpy as jnp
import numpy as np

B, C, H, W = 8, 96, 224, 224
BINS = 10


def setup_inputs(seed: int = 0) -> dict:
    key = jax.random.key(seed)
    k1, k2 = jax.random.split(key)
    x = jax.random.normal(k1, (B, C, H, W), dtype=jnp.float32)
    target = jax.random.randint(k2, (B, H, W), 0, C, dtype=jnp.int32)
    return {"x": x, "target": target}


def reference(x, target):
    # GHMC_Loss.forward with is_split_batch=True, is_evaluation=False,
    # ignore_classes=None, class_weights=None, alpha path inactive.
    N = H * W
    nbin = N // BINS  # int(N // self._bins)
    logp = jax.nn.log_softmax(x, axis=1)
    p = jnp.exp(logp)  # softmax(x, 1)
    tgt = target[:, None, :, :]
    # (softmax - one_hot).gather(1, target) == p_target - 1
    p_t = jnp.take_along_axis(p, tgt, axis=1)[:, 0]  # [B,H,W]
    g = jnp.abs(p_t - 1.0)  # detached in torch
    bin_idx = jnp.floor(g * (nbin - 0.0001)).astype(jnp.int32)
    bin_idx = jnp.minimum(bin_idx, nbin - 1)  # clamp max=bin-1
    # per-sample bincount with minlength=nbin
    counts = jnp.zeros((B, nbin), dtype=jnp.float32).at[
        jnp.arange(B)[:, None, None], bin_idx
    ].add(1.0)
    nonempty = (counts > 0).sum(axis=1, keepdims=True).astype(jnp.float32)
    counts = counts * nonempty  # bin_count[i] *= (bin_count[i] > 0).sum()
    gd = jnp.clip(counts, 1.0, None)
    beta = N * 1.0 / gd  # [B, nbin]
    weight = jnp.take_along_axis(beta, bin_idx.reshape(B, -1), axis=1).reshape(B, H, W)
    # NLLLoss(log_softmax(x,1), target, reduction='none') elementwise
    nll = -jnp.take_along_axis(logp, tgt, axis=1)[:, 0]  # [B,H,W]
    loss = jnp.mean(nll * weight)
    return loss

if __name__ == "__main__":
    import jax
    _d = setup_inputs()
    print(jax.jit(kernel)(*tuple(_d.values())))

</pallas_src>

<mosaic_0001>
#map = affine_map<(d0, d1) -> (0)>
#map1 = affine_map<(d0, d1) -> (0, 0)>
module attributes {stable_mosaic.version = 14 : i64} {
  func.func @sc_hist(%arg0: i32, %arg1: i32, %arg2: memref<401408xi32, #tpu.memory_space<hbm>>, %arg3: memref<401408xf32, #tpu.memory_space<hbm>>, %arg4: memref<8x16xf32, #tpu.memory_space<hbm>>, %arg5: memref<80384xf32, #tpu.memory_space<vmem>>, %arg6: memref<12544xi32, #tpu.memory_space<vmem>>, %arg7: memref<12544xf32, #tpu.memory_space<vmem>>, %arg8: memref<5024xf32, #tpu.memory_space<vmem>>, %arg9: memref<5024xf32, #tpu.memory_space<vmem>>, %arg10: memref<5024xf32, #tpu.memory_space<vmem>>, %arg11: memref<16xf32, #tpu.memory_space<vmem>>, %arg12: memref<16x2x5024xf32, #tpu.memory_space<vmem_shared>>) attributes {dimension_semantics = [#tpu.dimension_semantics<core_parallel>, #tpu.dimension_semantics<subcore_parallel>], iteration_bounds = array<i64: 2, 16>, scalar_prefetch = 0 : i64, scratch_operands = 8 : i64, tpu.core_type = #tpu.core_type<sc_vector_subcore>, window_params = [{transform_indices = #map}, {transform_indices = #map}, {transform_indices = #map1}]} {
    %mul3A = arith.constant 4 : i32
    %mul3A_0 = arith.muli %arg0, %mul3A : i32
    %jit3A = arith.constant 4 : i32
    %div3A = arith.divsi %arg1, %jit3A : i32
    %sign3A = arith.constant 0 : i32
    %sign3A_1 = arith.cmpi sgt, %arg1, %sign3A : i32
    %sign3A_2 = arith.extui %sign3A_1 : i1 to i32
    %sign3A_3 = arith.constant 0 : i32
    %sign3A_4 = arith.cmpi slt, %arg1, %sign3A_3 : i32
    %sign3A_5 = arith.extui %sign3A_4 : i1 to i32
    %sign3A_6 = arith.subi %sign3A_2, %sign3A_5 : i32
    %sign3A_7 = arith.constant 0 : i32
    %sign3A_8 = arith.cmpi sgt, %jit3A, %sign3A_7 : i32
    %sign3A_9 = arith.extui %sign3A_8 : i1 to i32
    %sign3A_10 = arith.constant 0 : i32
    %sign3A_11 = arith.cmpi slt, %jit3A, %sign3A_10 : i32
    %sign3A_12 = arith.extui %sign3A_11 : i1 to i32
    %sign3A_13 = arith.subi %sign3A_9, %sign3A_12 : i32
    %ne3A = arith.cmpi ne, %sign3A_6, %sign3A_13 : i32
    %rem3A = arith.remsi %arg1, %jit3A : i32
    %ne3A_14 = arith.constant 0 : i32
    %ne3A_15 = arith.cmpi ne, %rem3A, %ne3A_14 : i32
    %and3A = arith.andi %ne3A, %ne3A_15 : i1
    %sub3A = arith.constant 1 : i32
    %sub3A_16 = arith.subi %div3A, %sub3A : i32
    %select_n3A = arith.select %and3A, %sub3A_16, %div3A : i32
    %add3A = arith.addi %mul3A_0, %select_n3A : i32
    %jit3A_17 = arith.constant 4 : i32
    %eq3A = arith.constant 0 : i32
    %eq3A_18 = arith.cmpi eq, %jit3A_17, %eq3A : i32
    %jit3A_19 = arith.constant 1 : i32
    %select_n3A_20 = arith.select %eq3A_18, %jit3A_19, %jit3A_17 : i32
    %rem3A_21 = arith.remsi %arg1, %select_n3A_20 : i32
    %ne3A_22 = arith.constant 0 : i32
    %ne3A_23 = arith.cmpi ne, %rem3A_21, %ne3A_22 : i32
    %lt3A = arith.constant 0 : i32
    %lt3A_24 = arith.cmpi slt, %rem3A_21, %lt3A : i32
    %lt3A_25 = arith.constant 0 : i32
    %lt3A_26 = arith.cmpi slt, %select_n3A_20, %lt3A_25 : i32
    %ne3A_27 = arith.xori %lt3A_24, %lt3A_26 : i1
    %and3A_28 = arith.andi %ne3A_27, %ne3A_23 : i1
    %add3A_29 = arith.addi %rem3A_21, %select_n3A_20 : i32
    %select_n3A_30 = arith.select %and3A_28, %add3A_29, %rem3A_21 : i32
    %mul3A_31 = arith.constant 50176 : i32
    %mul3A_32 = arith.muli %add3A, %mul3A_31 : i32
    %mul3A_33 = arith.constant 12544 : i32
    %mul3A_34 = arith.muli %select_n3A_30, %mul3A_33 : i32
    %add3A_35 = arith.addi %mul3A_32, %mul3A_34 : i32
    %broadcast_in_dim3A = arith.constant 0.000000e+00 : f32
    %broadcast_in_dim3A_36 = vector.broadcast %broadcast_in_dim3A : f32 to vector<16xf32>
    %broadcast_in_dim3A_37 = arith.constant 1.000000e+00 : f32
    %broadcast_in_dim3A_38 = vector.broadcast %broadcast_in_dim3A_37 : f32 to vector<16xf32>
    %iota3A = tpu.iota {dimensions = array<i32: 0>} : vector<16xi32>
    %scan3A = arith.constant 0 : i32
    %scan3A_39 = arith.constant 0 : i32
    %scan3A_40 = arith.constant 628 : i32
    %scan3A_41 = arith.addi %scan3A_39, %scan3A_40 : i32
    %scan3A_42 = arith.constant 1 : i32
    %scan3A_43 = scf.for %scan3A_186 = %scan3A_39 to %scan3A_41 step %scan3A_42 iter_args(%scan3A_187 = %scan3A) -> (i32)  : i32 {
      %mul3A_188 = arith.constant 128 : i32
      %mul3A_189 = arith.muli %scan3A_186, %mul3A_188 : i32
      %add3A_190 = arith.constant 0 : i32
      %add3A_191 = arith.addi %mul3A_189, %add3A_190 : i32
      %swap3A = arith.index_cast %add3A_191 : i32 to index
      %swap3A_192 = tpu.vector_load %arg5[%swap3A] {strides = array<i32>} : memref<80384xf32, #tpu.memory_space<vmem>>, vector<16xf32>,
      tpu.vector_store %arg5[%swap3A], %broadcast_in_dim3A_36 {strides = array<i32>} : memref<80384xf32, #tpu.memory_space<vmem>>, vector<16xf32>,
      %mul3A_193 = arith.constant 128 : i32
      %mul3A_194 = arith.muli %scan3A_186, %mul3A_193 : i32
      %add3A_195 = arith.constant 16 : i32
      %add3A_196 = arith.addi %mul3A_194, %add3A_195 : i32
      %swap3A_197 = arith.index_cast %add3A_196 : i32 to index
      %swap3A_198 = tpu.vector_load %arg5[%swap3A_197] {strides = array<i32>} : memref<80384xf32, #tpu.memory_space<vmem>>, vector<16xf32>,
      tpu.vector_store %arg5[%swap3A_197], %broadcast_in_dim3A_36 {strides = array<i32>} : memref<80384xf32, #tpu.memory_space<vmem>>, vector<16xf32>,
      %mul3A_199 = arith.constant 128 : i32
      %mul3A_200 = arith.muli %scan3A_186, %mul3A_199 : i32
      %add3A_201 = arith.constant 32 : i32
      %add3A_202 = arith.addi %mul3A_200, %add3A_201 : i32
      %swap3A_203 = arith.index_cast %add3A_202 : i32 to index
      %swap3A_204 = tpu.vector_load %arg5[%swap3A_203] {strides = array<i32>} : memref<80384xf32, #tpu.memory_space<vmem>>, vector<16xf32>,
      tpu.vector_store %arg5[%swap3A_203], %broadcast_in_dim3A_36 {strides = array<i32>} : memref<80384xf32, #tpu.memory_space<vmem>>, vector<16xf32>,
      %mul3A_205 = arith.constant 128 : i32
      %mul3A_206 = arith.muli %scan3A_186, %mul3A_205 : i32
      %add3A_207 = arith.constant 48 : i32
      %add3A_208 = arith.addi %mul3A_206, %add3A_207 : i32
      %swap3A_209 = arith.index_cast %add3A_208 : i32 to index
      %swap3A_210 = tpu.vector_load %arg5[%swap3A_209] {strides = array<i32>} : memref<80384xf32, #tpu.memory_space<vmem>>, vector<16xf32>,
      tpu.vector_store %arg5[%swap3A_209], %broadcast_in_dim3A_36 {strides = array<i32>} : memref<80384xf32, #tpu.memory_space<vmem>>, vector<16xf32>,
      %mul3A_211 = arith.constant 128 : i32
      %mul3A_212 = arith.muli %scan3A_186, %mul3A_211 : i32
      %add3A_213 = arith.constant 64 : i32
      %add3A_214 = arith.addi %mul3A_212, %add3A_213 : i32
      %swap3A_215 = arith.index_cast %add3A_214 : i32 to index
      %swap3A_216 = tpu.vector_load %arg5[%swap3A_215] {strides = array<i32>} : memref<80384xf32, #tpu.memory_space<vmem>>, vector<16xf32>,
      tpu.vector_store %arg5[%swap3A_215], %broadcast_in_dim3A_36 {strides = array<i32>} : memref<80384xf32, #tpu.memory_space<vmem>>, vector<16xf32>,
      %mul3A_217 = arith.constant 128 : i32
      %mul3A_218 = arith.muli %scan3A_186, %mul3A_217 : i32
      %add3A_219 = arith.constant 80 : i32
      %add3A_220 = arith.addi %mul3A_218, %add3A_219 : i32
      %swap3A_221 = arith.index_cast %add3A_220 : i32 to index
      %swap3A_222 = tpu.vector_load %arg5[%swap3A_221] {strides = array<i32>} : memref<80384xf32, #tpu.memory_space<vmem>>, vector<16xf32>,
      tpu.vector_store %arg5[%swap3A_221], %broadcast_in_dim3A_36 {strides = array<i32>} : memref<80384xf32, #tpu.memory_space<vmem>>, vector<16xf32>,
      %mul3A_223 = arith.constant 128 : i32
      %mul3A_224 = arith.muli %scan3A_186, %mul3A_223 : i32
      %add3A_225 = arith.constant 96 : i32
      %add3A_226 = arith.addi %mul3A_224, %add3A_225 : i32
      %swap3A_227 = arith.index_cast %add3A_226 : i32 to index
      %swap3A_228 = tpu.vector_load %arg5[%swap3A_227] {strides = array<i32>} : memref<80384xf32, #tpu.memory_space<vmem>>, vector<16xf32>,
      tpu.vector_store %arg5[%swap3A_227], %broadcast_in_dim3A_36 {strides = array<i32>} : memref<80384xf32, #tpu.memory_space<vmem>>, vector<16xf32>,
      %mul3A_229 = arith.constant 128 : i32
      %mul3A_230 = arith.muli %scan3A_186, %mul3A_229 : i32
      %add3A_231 = arith.constant 112 : i32
      %add3A_232 = arith.addi %mul3A_230, %add3A_231 : i32
      %swap3A_233 = arith.index_cast %add3A_232 : i32 to index
      %swap3A_234 = tpu.vector_load %arg5[%swap3A_233] {strides = array<i32>} : memref<80384xf32, #tpu.memory_space<vmem>>, vector<16xf32>,
      tpu.vector_store %arg5[%swap3A_233], %broadcast_in_dim3A_36 {strides = array<i32>} : memref<80384xf32, #tpu.memory_space<vmem>>, vector<16xf32>,
      %scan3A_235 = arith.constant 0 : i32
      scf.yield %scan3A_235 : i32
    }
    %scan3A_44 = arith.constant 628 : i32
    "tpu.region"() ({
      %run_scoped3A_186 = tpu.sem_alloc : memref<!tpu.dma_semaphore, #tpu.memory_space<semaphore_mem>>
      %dma_start3A = tpu.memref_slice %arg2[%add3A_35] : memref<401408xi32, #tpu.memory_space<hbm>> -> memref<12544xi32, #tpu.memory_space<hbm>>
      %dma_start3A_187 = tpu.memref_slice %arg2[%add3A_35] : memref<401408xi32, #tpu.memory_space<hbm>> -> memref<12544xi32, #tpu.memory_space<hbm>>
      tpu.enqueue_dma source(%dma_start3A_187 : memref<12544xi32, #tpu.memory_space<hbm>>) target(%arg6 : memref<12544xi32, #tpu.memory_space<vmem>>) target_semaphore(%run_scoped3A_186 : memref<!tpu.dma_semaphore, #tpu.memory_space<semaphore_mem>>)
      %dma_wait3A = tpu.memref_slice %arg2[%add3A_35] : memref<401408xi32, #tpu.memory_space<hbm>> -> memref<12544xi32, #tpu.memory_space<hbm>>
      %dma_wait3A_188 = tpu.memref_slice %arg2[%add3A_35] : memref<401408xi32, #tpu.memory_space<hbm>> -> memref<12544xi32, #tpu.memory_space<hbm>>
      tpu.wait_dma2 semaphore(%run_scoped3A_186 : memref<!tpu.dma_semaphore, #tpu.memory_space<semaphore_mem>>) src(%dma_wait3A_188 : memref<12544xi32, #tpu.memory_space<hbm>>) dst(%arg6 : memref<12544xi32, #tpu.memory_space<vmem>>)
      tpu.yield
    }) : () -> ()
    "tpu.region"() ({
      %run_scoped3A_186 = tpu.sem_alloc : memref<!tpu.dma_semaphore, #tpu.memory_space<semaphore_mem>>
      %dma_start3A = tpu.memref_slice %arg3[%add3A_35] : memref<401408xf32, #tpu.memory_space<hbm>> -> memref<12544xf32, #tpu.memory_space<hbm>>
      %dma_start3A_187 = tpu.memref_slice %arg3[%add3A_35] : memref<401408xf32, #tpu.memory_space<hbm>> -> memref<12544xf32, #tpu.memory_space<hbm>>
      tpu.enqueue_dma source(%dma_start3A_187 : memref<12544xf32, #tpu.memory_space<hbm>>) target(%arg7 : memref<12544xf32, #tpu.memory_space<vmem>>) target_semaphore(%run_scoped3A_186 : memref<!tpu.dma_semaphore, #tpu.memory_space<semaphore_mem>>)
      %dma_wait3A = tpu.memref_slice %arg3[%add3A_35] : memref<401408xf32, #tpu.memory_space<hbm>> -> memref<12544xf32, #tpu.memory_space<hbm>>
      %dma_wait3A_188 = tpu.memref_slice %arg3[%add3A_35] : memref<401408xf32, #tpu.memory_space<hbm>> -> memref<12544xf32, #tpu.memory_space<hbm>>
      tpu.wait_dma2 semaphore(%run_scoped3A_186 : memref<!tpu.dma_semaphore, #tpu.memory_space<semaphore_mem>>) src(%dma_wait3A_188 : memref<12544xf32, #tpu.memory_space<hbm>>) dst(%arg7 : memref<12544xf32, #tpu.memory_space<vmem>>)
      tpu.yield
    }) : () -> ()
    %mul3A_45 = arith.constant 5024 : i32
    %mul3A_46 = vector.broadcast %mul3A_45 : i32 to vector<16xi32>
    %mul3A_47 = arith.muli %iota3A, %mul3A_46 : vector<16xi32>
    %scan3A_48 = arith.constant 0 : i32
    %scan3A_49 = arith.constant 0 : i32
    %scan3A_50 = arith.constant 392 : i32
    %scan3A_51 = arith.addi %scan3A_49, %scan3A_50 : i32
    %scan3A_52 = arith.constant 1 : i32
    %scan3A_53 = scf.for %scan3A_186 = %scan3A_49 to %scan3A_51 step %scan3A_52 iter_args(%scan3A_187 = %scan3A_48) -> (i32)  : i32 {
      %mul3A_188 = arith.constant 32 : i32
      %mul3A_189 = arith.muli %scan3A_186, %mul3A_188 : i32
      %add3A_190 = arith.constant 0 : i32
      %add3A_191 = arith.addi %mul3A_189, %add3A_190 : i32
      %get3A = arith.index_cast %add3A_191 : i32 to index
      %get3A_192 = tpu.vector_load %arg6[%get3A] {strides = array<i32>} : memref<12544xi32, #tpu.memory_space<vmem>>, vector<16xi32>,
      %add3A_193 = arith.addi %mul3A_47, %get3A_192 : vector<16xi32>
      tpu.vector_store_idx %arg5[%add3A_193], %broadcast_in_dim3A_38 {add = true} : memref<80384xf32, #tpu.memory_space<vmem>>[vector<16xi32>], vector<16xf32>,
      %mul3A_194 = arith.constant 32 : i32
      %mul3A_195 = arith.muli %scan3A_186, %mul3A_194 : i32
      %add3A_196 = arith.constant 16 : i32
      %add3A_197 = arith.addi %mul3A_195, %add3A_196 : i32
      %get3A_198 = arith.index_cast %add3A_197 : i32 to index
      %get3A_199 = tpu.vector_load %arg6[%get3A_198] {strides = array<i32>} : memref<12544xi32, #tpu.memory_space<vmem>>, vector<16xi32>,
      %add3A_200 = arith.addi %mul3A_47, %get3A_199 : vector<16xi32>
      tpu.vector_store_idx %arg5[%add3A_200], %broadcast_in_dim3A_38 {add = true} : memref<80384xf32, #tpu.memory_space<vmem>>[vector<16xi32>], vector<16xf32>,
      %scan3A_201 = arith.constant 0 : i32
      scf.yield %scan3A_201 : i32
    }
    %scan3A_54 = arith.constant 392 : i32
    %scan3A_55 = arith.constant 0 : i32
    %scan3A_56 = arith.constant 0 : i32
    %scan3A_57 = arith.constant 157 : i32
    %scan3A_58 = arith.addi %scan3A_56, %scan3A_57 : i32
    %scan3A_59 = arith.constant 1 : i32
    %scan3A_60 = scf.for %scan3A_186 = %scan3A_56 to %scan3A_58 step %scan3A_59 iter_args(%scan3A_187 = %scan3A_55) -> (i32)  : i32 {
      %mul3A_188 = arith.constant 32 : i32
      %mul3A_189 = arith.muli %scan3A_186, %mul3A_188 : i32
      %add3A_190 = arith.constant 0 : i32
      %add3A_191 = arith.addi %mul3A_189, %add3A_190 : i32
      %get3A = arith.index_cast %add3A_191 : i32 to index
      %get3A_192 = tpu.vector_load %arg5[%get3A] {strides = array<i32>} : memref<80384xf32, #tpu.memory_space<vmem>>, vector<16xf32>,
      %swap3A = arith.index_cast %add3A_191 : i32 to index
      %swap3A_193 = tpu.vector_load %arg5[%swap3A] {strides = array<i32>} : memref<80384xf32, #tpu.memory_space<vmem>>, vector<16xf32>,
      tpu.vector_store %arg5[%swap3A], %broadcast_in_dim3A_36 {strides = array<i32>} : memref<80384xf32, #tpu.memory_space<vmem>>, vector<16xf32>,
      %add3A_194 = arith.constant 5024 : i32
      %add3A_195 = arith.addi %add3A_194, %add3A_191 : i32
      %get3A_196 = arith.index_cast %add3A_195 : i32 to index
      %get3A_197 = tpu.vector_load %arg5[%get3A_196] {strides = array<i32>} : memref<80384xf32, #tpu.memory_space<vmem>>, vector<16xf32>,
      %add3A_198 = arith.addf %get3A_192, %get3A_197 : vector<16xf32>
      %swap3A_199 = arith.index_cast %add3A_195 : i32 to index
      %swap3A_200 = tpu.vector_load %arg5[%swap3A_199] {strides = array<i32>} : memref<80384xf32, #tpu.memory_space<vmem>>, vector<16xf32>,
      tpu.vector_store %arg5[%swap3A_199], %broadcast_in_dim3A_36 {strides = array<i32>} : memref<80384xf32, #tpu.memory_space<vmem>>, vector<16xf32>,
      %add3A_201 = arith.constant 10048 : i32
      %add3A_202 = arith.addi %add3A_201, %add3A_191 : i32
      %get3A_203 = arith.index_cast %add3A_202 : i32 to index
      %get3A_204 = tpu.vector_load %arg5[%get3A_203] {strides = array<i32>} : memref<80384xf32, #tpu.memory_space<vmem>>, vector<16xf32>,
      %add3A_205 = arith.addf %add3A_198, %get3A_204 : vector<16xf32>
      %swap3A_206 = arith.index_cast %add3A_202 : i32 to index
      %swap3A_207 = tpu.vector_load %arg5[%swap3A_206] {strides = array<i32>} : memref<80384xf32, #tpu.memory_space<vmem>>, vector<16xf32>,
      tpu.vector_store %arg5[%swap3A_206], %broadcast_in_dim3A_36 {strides = array<i32>} : memref<80384xf32, #tpu.memory_space<vmem>>, vector<16xf32>,
      %add3A_208 = arith.constant 15072 : i32
      %add3A_209 = arith.addi %add3A_208, %add3A_191 : i32
      %get3A_210 = arith.index_cast %add3A_209 : i32 to index
      %get3A_211 = tpu.vector_load %arg5[%get3A_210] {strides = array<i32>} : memref<80384xf32, #tpu.memory_space<vmem>>, vector<16xf32>,
      %add3A_212 = arith.addf %add3A_205, %get3A_211 : vector<16xf32>
      %swap3A_213 = arith.index_cast %add3A_209 : i32 to index
      %swap3A_214 = tpu.vector_load %arg5[%swap3A_213] {strides = array<i32>} : memref<80384xf32, #tpu.memory_space<vmem>>, vector<16xf32>,
      tpu.vector_store %arg5[%swap3A_213], %broadcast_in_dim3A_36 {strides = array<i32>} : memref<80384xf32, #tpu.memory_space<vmem>>, vector<16xf32>,
      %add3A_215 = arith.constant 20096 : i32
      %add3A_216 = arith.addi %add3A_215, %add3A_191 : i32
      %get3A_217 = arith.index_cast %add3A_216 : i32 to index
      %get3A_218 = tpu.vector_load %arg5[%get3A_217] {strides = array<i32>} : memref<80384xf32, #tpu.memory_space<vmem>>, vector<16xf32>,
      %add3A_219 = arith.addf %add3A_212, %get3A_218 : vector<16xf32>
      %swap3A_220 = arith.index_cast %add3A_216 : i32 to index
      %swap3A_221 = tpu.vector_load %arg5[%swap3A_220] {strides = array<i32>} : memref<80384xf32, #tpu.memory_space<vmem>>, vector<16xf32>,
      tpu.vector_store %arg5[%swap3A_220], %broadcast_in_dim3A_36 {strides = array<i32>} : memref<80384xf32, #tpu.memory_space<vmem>>, vector<16xf32>,
      %add3A_222 = arith.constant 25120 : i32
      %add3A_223 = arith.addi %add3A_222, %add3A_191 : i32
      %get3A_224 = arith.index_cast %add3A_223 : i32 to index
      %get3A_225 = tpu.vector_load %arg5[%get3A_224] {strides = array<i32>} : memref<80384xf32, #tpu.memory_space<vmem>>, vector<16xf32>,
      %add3A_226 = arith.addf %add3A_219, %get3A_225 : vector<16xf32>
      %swap3A_227 = arith.index_cast %add3A_223 : i32 to index
      %swap3A_228 = tpu.vector_load %arg5[%swap3A_227] {strides = array<i32>} : memref<80384xf32, #tpu.memory_space<vmem>>, vector<16xf32>,
      tpu.vector_store %arg5[%swap3A_227], %broadcast_in_dim3A_36 {strides = array<i32>} : memref<80384xf32, #tpu.memory_space<vmem>>, vector<16xf32>,
      %add3A_229 = arith.constant 30144 : i32
      %add3A_230 = arith.addi %add3A_229, %add3A_191 : i32
      %get3A_231 = arith.index_cast %add3A_230 : i32 to index
      %get3A_232 = tpu.vector_load %arg5[%get3A_231] {strides = array<i32>} : memref<80384xf32, #tpu.memory_space<vmem>>, vector<16xf32>,
      %add3A_233 = arith.addf %add3A_226, %get3A_232 : vector<16xf32>
      %swap3A_234 = arith.index_cast %add3A_230 : i32 to index
      %swap3A_235 = tpu.vector_load %arg5[%swap3A_234] {strides = array<i32>} : memref<80384xf32, #tpu.memory_space<vmem>>, vector<16xf32>,
      tpu.vector_store %arg5[%swap3A_234], %broadcast_in_dim3A_36 {strides = array<i32>} : memref<80384xf32, #tpu.memory_space<vmem>>, vector<16xf32>,
      %add3A_236 = arith.constant 35168 : i32
      %add3A_237 = arith.addi %add3A_236, %add3A_191 : i32
      %get3A_238 = arith.index_cast %add3A_237 : i32 to index
      %get3A_239 = tpu.vector_load %arg5[%get3A_238] {strides = array<i32>} : memref<80384xf32, #tpu.memory_space<vmem>>, vector<16xf32>,
      %add3A_240 = arith.addf %add3A_233, %get3A_239 : vector<16xf32>
      %swap3A_241 = arith.index_cast %add3A_237 : i32 to index
      %swap3A_242 = tpu.vector_load %arg5[%swap3A_241] {strides = array<i32>} : memref<80384xf32, #tpu.memory_space<vmem>>, vector<16xf32>,
      tpu.vector_store %arg5[%swap3A_241], %broadcast_in_dim3A_36 {strides = array<i32>} : memref<80384xf32, #tpu.memory_space<vmem>>, vector<16xf32>,
      %add3A_243 = arith.constant 40192 : i32
      %add3A_244 = arith.addi %add3A_243, %add3A_191 : i32
      %get3A_245 = arith.index_cast %add3A_244 : i32 to index
      %get3A_246 = tpu.vector_load %arg5[%get3A_245] {strides = array<i32>} : memref<80384xf32, #tpu.memory_space<vmem>>, vector<16xf32>,
      %add3A_247 = arith.addf %add3A_240, %get3A_246 : vector<16xf32>
      %swap3A_248 = arith.index_cast %add3A_244 : i32 to index
      %swap3A_249 = tpu.vector_load %arg5[%swap3A_248] {strides = array<i32>} : memref<80384xf32, #tpu.memory_space<vmem>>, vector<16xf32>,
      tpu.vector_store %arg5[%swap3A_248], %broadcast_in_dim3A_36 {strides = array<i32>} : memref<80384xf32, #tpu.memory_space<vmem>>, vector<16xf32>,
      %add3A_250 = arith.constant 45216 : i32
      %add3A_251 = arith.addi %add3A_250, %add3A_191 : i32
      %get3A_252 = arith.index_cast %add3A_251 : i32 to index
      %get3A_253 = tpu.vector_load %arg5[%get3A_252] {strides = array<i32>} : memref<80384xf32, #tpu.memory_space<vmem>>, vector<16xf32>,
      %add3A_254 = arith.addf %add3A_247, %get3A_253 : vector<16xf32>
      %swap3A_255 = arith.index_cast %add3A_251 : i32 to index
      %swap3A_256 = tpu.vector_load %arg5[%swap3A_255] {strides = array<i32>} : memref<80384xf32, #tpu.memory_space<vmem>>, vector<16xf32>,
      tpu.vector_store %arg5[%swap3A_255], %broadcast_in_dim3A_36 {strides = array<i32>} : memref<80384xf32, #tpu.memory_space<vmem>>, vector<16xf32>,
      %add3A_257 = arith.constant 50240 : i32
      %add3A_258 = arith.addi %add3A_257, %add3A_191 : i32
      %get3A_259 = arith.index_cast %add3A_258 : i32 to index
      %get3A_260 = tpu.vector_load %arg5[%get3A_259] {strides = array<i32>} : memref<80384xf32, #tpu.memory_space<vmem>>, vector<16xf32>,
      %add3A_261 = arith.addf %add3A_254, %get3A_260 : vector<16xf32>
      %swap3A_262 = arith.index_cast %add3A_258 : i32 to index
      %swap3A_263 = tpu.vector_load %arg5[%swap3A_262] {strides = array<i32>} : memref<80384xf32, #tpu.memory_space<vmem>>, vector<16xf32>,
      tpu.vector_store %arg5[%swap3A_262], %broadcast_in_dim3A_36 {strides = array<i32>} : memref<80384xf32, #tpu.memory_space<vmem>>, vector<16xf32>,
      %add3A_264 = arith.constant 55264 : i32
      %add3A_265 = arith.addi %add3A_264, %add3A_191 : i32
      %get3A_266 = arith.index_cast %add3A_265 : i32 to index
      %get3A_267 = tpu.vector_load %arg5[%get3A_266] {strides = array<i32>} : memref<80384xf32, #tpu.memory_space<vmem>>, vector<16xf32>,
      %add3A_268 = arith.addf %add3A_261, %get3A_267 : vector<16xf32>
      %swap3A_269 = arith.index_cast %add3A_265 : i32 to index
      %swap3A_270 = tpu.vector_load %arg5[%swap3A_269] {strides = array<i32>} : memref<80384xf32, #tpu.memory_space<vmem>>, vector<16xf32>,
      tpu.vector_store %arg5[%swap3A_269], %broadcast_in_dim3A_36 {strides = array<i32>} : memref<80384xf32, #tpu.memory_space<vmem>>, vector<16xf32>,
      %add3A_271 = arith.constant 60288 : i32
      %add3A_272 = arith.addi %add3A_271, %add3A_191 : i32
      %get3A_273 = arith.index_cast %add3A_272 : i32 to index
      %get3A_274 = tpu.vector_load %arg5[%get3A_273] {strides = array<i32>} : memref<80384xf32, #tpu.memory_space<vmem>>, vector<16xf32>,
      %add3A_275 = arith.addf %add3A_268, %get3A_274 : vector<16xf32>
      %swap3A_276 = arith.index_cast %add3A_272 : i32 to index
      %swap3A_277 = tpu.vector_load %arg5[%swap3A_276] {strides = array<i32>} : memref<80384xf32, #tpu.memory_space<vmem>>, vector<16xf32>,
      tpu.vector_store %arg5[%swap3A_276], %broadcast_in_dim3A_36 {strides = array<i32>} : memref<80384xf32, #tpu.memory_space<vmem>>, vector<16xf32>,
      %add3A_278 = arith.constant 65312 : i32
      %add3A_279 = arith.addi %add3A_278, %add3A_191 : i32
      %get3A_280 = arith.index_cast %add3A_279 : i32 to index
      %get3A_281 = tpu.vector_load %arg5[%get3A_280] {strides = array<i32>} : memref<80384xf32, #tpu.memory_space<vmem>>, vector<16xf32>,
      %add3A_282 = arith.addf %add3A_275, %get3A_281 : vector<16xf32>
      %swap3A_283 = arith.index_cast %add3A_279 : i32 to index
      %swap3A_284 = tpu.vector_load %arg5[%swap3A_283] {strides = array<i32>} : memref<80384xf32, #tpu.memory_space<vmem>>, vector<16xf32>,
      tpu.vector_store %arg5[%swap3A_283], %broadcast_in_dim3A_36 {strides = array<i32>} : memref<80384xf32, #tpu.memory_space<vmem>>, vector<16xf32>,
      %add3A_285 = arith.constant 70336 : i32
      %add3A_286 = arith.addi %add3A_285, %add3A_191 : i32
      %get3A_287 = arith.index_cast %add3A_286 : i32 to index
      %get3A_288 = tpu.vector_load %arg5[%get3A_287] {strides = array<i32>} : memref<80384xf32, #tpu.memory_space<vmem>>, vector<16xf32>,
      %add3A_289 = arith.addf %add3A_282, %get3A_288 : vector<16xf32>
      %swap3A_290 = arith.index_cast %add3A_286 : i32 to index
      %swap3A_291 = tpu.vector_load %arg5[%swap3A_290] {strides = array<i32>} : memref<80384xf32, #tpu.memory_space<vmem>>, vector<16xf32>,
      tpu.vector_store %arg5[%swap3A_290], %broadcast_in_dim3A_36 {strides = array<i32>} : memref<80384xf32, #tpu.memory_space<vmem>>, vector<16xf32>,
      %add3A_292 = arith.constant 75360 : i32
      %add3A_293 = arith.addi %add3A_292, %add3A_191 : i32
      %get3A_294 = arith.index_cast %add3A_293 : i32 to index
      %get3A_295 = tpu.vector_load %arg5[%get3A_294] {strides = array<i32>} : memref<80384xf32, #tpu.memory_space<vmem>>, vector<16xf32>,
      %add3A_296 = arith.addf %add3A_289, %get3A_295 : vector<16xf32>
      %swap3A_297 = arith.index_cast %add3A_293 : i32 to index
      %swap3A_298 = tpu.vector_load %arg5[%swap3A_297] {strides = array<i32>} : memref<80384xf32, #tpu.memory_space<vmem>>, vector<16xf32>,
      tpu.vector_store %arg5[%swap3A_297], %broadcast_in_dim3A_36 {strides = array<i32>} : memref<80384xf32, #tpu.memory_space<vmem>>, vector<16xf32>,
      %swap3A_299 = arith.index_cast %add3A_191 : i32 to index
      %swap3A_300 = tpu.vector_load %arg8[%swap3A_299] {strides = array<i32>} : memref<5024xf32, #tpu.memory_space<vmem>>, vector<16xf32>,
      tpu.vector_store %arg8[%swap3A_299], %add3A_296 {strides = array<i32>} : memref<5024xf32, #tpu.memory_space<vmem>>, vector<16xf32>,
      %mul3A_301 = arith.constant 32 : i32
      %mul3A_302 = arith.muli %scan3A_186, %mul3A_301 : i32
      %add3A_303 = arith.constant 16 : i32
      %add3A_304 = arith.addi %mul3A_302, %add3A_303 : i32
      %get3A_305 = arith.index_cast %add3A_304 : i32 to index
      %get3A_306 = tpu.vector_load %arg5[%get3A_305] {strides = array<i32>} : memref<80384xf32, #tpu.memory_space<vmem>>, vector<16xf32>,
      %swap3A_307 = arith.index_cast %add3A_304 : i32 to index
      %swap3A_308 = tpu.vector_load %arg5[%swap3A_307] {strides = array<i32>} : memref<80384xf32, #tpu.memory_space<vmem>>, vector<16xf32>,
      tpu.vector_store %arg5[%swap3A_307], %broadcast_in_dim3A_36 {strides = array<i32>} : memref<80384xf32, #tpu.memory_space<vmem>>, vector<16xf32>,
      %add3A_309 = arith.constant 5024 : i32
      %add3A_310 = arith.addi %add3A_309, %add3A_304 : i32
      %get3A_311 = arith.index_cast %add3A_310 : i32 to index
      %get3A_312 = tpu.vector_load %arg5[%get3A_311] {strides = array<i32>} : memref<80384xf32, #tpu.memory_space<vmem>>, vector<16xf32>,
      %add3A_313 = arith.addf %get3A_306, %get3A_312 : vector<16xf32>
      %swap3A_314 = arith.index_cast %add3A_310 : i32 to index
      %swap3A_315 = tpu.vector_load %arg5[%swap3A_314] {strides = array<i32>} : memref<80384xf32, #tpu.memory_space<vmem>>, vector<16xf32>,
      tpu.vector_store %arg5[%swap3A_314], %broadcast_in_dim3A_36 {strides = array<i32>} : memref<80384xf32, #tpu.memory_space<vmem>>, vector<16xf32>,
      %add3A_316 = arith.constant 10048 : i32
      %add3A_317 = arith.addi %add3A_316, %add3A_304 : i32
      %get3A_318 = arith.index_cast %add3A_317 : i32 to index
      %get3A_319 = tpu.vector_load %arg5[%get3A_318] {strides = array<i32>} : memref<80384xf32, #tpu.memory_space<vmem>>, vector<16xf32>,
      %add3A_320 = arith.addf %add3A_313, %get3A_319 : vector<16xf32>
      %swap3A_321 = arith.index_cast %add3A_317 : i32 to index
      %swap3A_322 = tpu.vector_load %arg5[%swap3A_321] {strides = array<i32>} : memref<80384xf32, #tpu.memory_space<vmem>>, vector<16xf32>,
      tpu.vector_store %arg5[%swap3A_321], %broadcast_in_dim3A_36 {strides = array<i32>} : memref<80384xf32, #tpu.memory_space<vmem>>, vector<16xf32>,
      %add3A_323 = arith.constant 15072 : i32
      %add3A_324 = arith.addi %add3A_323, %add3A_304 : i32
      %get3A_325 = arith.index_cast %add3A_324 : i32 to index
      %get3A_326 = tpu.vector_load %arg5[%get3A_325] {strides = array<i32>} : memref<80384xf32, #tpu.memory_space<vmem>>, vector<16xf32>,
      %add3A_327 = arith.addf %add3A_320, %get3A_326 : vector<16xf32>
      %swap3A_328 = arith.index_cast %add3A_324 : i32 to index
      %swap3A_329 = tpu.vector_load %arg5[%swap3A_328] {strides = array<i32>} : memref<80384xf32, #tpu.memory_space<vmem>>, vector<16xf32>,
      tpu.vector_store %arg5[%swap3A_328], %broadcast_in_dim3A_36 {strides = array<i32>} : memref<80384xf32, #tpu.memory_space<vmem>>, vector<16xf32>,
      %add3A_330 = arith.constant 20096 : i32
      %add3A_331 = arith.addi %add3A_330, %add3A_304 : i32
      %get3A_332 = arith.index_cast %add3A_331 : i32 to index
      %get3A_333 = tpu.vector_load %arg5[%get3A_332] {strides = array<i32>} : memref<80384xf32, #tpu.memory_space<vmem>>, vector<16xf32>,
      %add3A_334 = arith.addf %add3A_327, %get3A_333 : vector<16xf32>
      %swap3A_335 = arith.index_cast %add3A_331 : i32 to index
      %swap3A_336 = tpu.vector_load %arg5[%swap3A_335] {strides = array<i32>} : memref<80384xf32, #tpu.memory_space<vmem>>, vector<16xf32>,
      tpu.vector_store %arg5[%swap3A_335], %broadcast_in_dim3A_36 {strides = array<i32>} : memref<80384xf32, #tpu.memory_space<vmem>>, vector<16xf32>,
      %add3A_337 = arith.constant 25120 : i32
      %add3A_338 = arith.addi %add3A_337, %add3A_304 : i32
      %get3A_339 = arith.index_cast %add3A_338 : i32 to index
      %get3A_340 = tpu.vector_load %arg5[%get3A_339] {strides = array<i32>} : memref<80384xf32, #tpu.memory_space<vmem>>, vector<16xf32>,
      %add3A_341 = arith.addf %add3A_334, %get3A_340 : vector<16xf32>
      %swap3A_342 = arith.index_cast %add3A_338 : i32 to index
      %swap3A_343 = tpu.vector_load %arg5[%swap3A_342] {strides = array<i32>} : memref<80384xf32, #tpu.memory_space<vmem>>, vector<16xf32>,
      tpu.vector_store %arg5[%swap3A_342], %broadcast_in_dim3A_36 {strides = array<i32>} : memref<80384xf32, #tpu.memory_space<vmem>>, vector<16xf32>,
      %add3A_344 = arith.constant 30144 : i32
      %add3A_345 = arith.addi %add3A_344, %add3A_304 : i32
      %get3A_346 = arith.index_cast %add3A_345 : i32 to index
      %get3A_347 = tpu.vector_load %arg5[%get3A_346] {strides = array<i32>} : memref<80384xf32, #tpu.memory_space<vmem>>, vector<16xf32>,
      %add3A_348 = arith.addf %add3A_341, %get3A_347 : vector<16xf32>
      %swap3A_349 = arith.index_cast %add3A_345 : i32 to index
      %swap3A_350 = tpu.vector_load %arg5[%swap3A_349] {strides = array<i32>} : memref<80384xf32, #tpu.memory_space<vmem>>, vector<16xf32>,
      tpu.vector_store %arg5[%swap3A_349], %broadcast_in_dim3A_36 {strides = array<i32>} : memref<80384xf32, #tpu.memory_space<vmem>>, vector<16xf32>,
      %add3A_351 = arith.constant 35168 : i32
      %add3A_352 = arith.addi %add3A_351, %add3A_304 : i32
      %get3A_353 = arith.index_cast %add3A_352 : i32 to index
      %get3A_354 = tpu.vector_load %arg5[%get3A_353] {strides = array<i32>} : memref<80384xf32, #tpu.memory_space<vmem>>, vector<16xf32>,
      %add3A_355 = arith.addf %add3A_348, %get3A_354 : vector<16xf32>
      %swap3A_356 = arith.index_cast %add3A_352 : i32 to index
      %swap3A_357 = tpu.vector_load %arg5[%swap3A_356] {strides = array<i32>} : memref<80384xf32, #tpu.memory_space<vmem>>, vector<16xf32>,
      tpu.vector_store %arg5[%swap3A_356], %broadcast_in_dim3A_36 {strides = array<i32>} : memref<80384xf32, #tpu.memory_space<vmem>>, vector<16xf32>,
      %add3A_358 = arith.constant 40192 : i32
      %add3A_359 = arith.addi %add3A_358, %add3A_304 : i32
      %get3A_360 = arith.index_cast %add3A_359 : i32 to index
      %get3A_361 = tpu.vector_load %arg5[%get3A_360] {strides = array<i32>} : memref<80384xf32, #tpu.memory_space<vmem>>, vector<16xf32>,
      %add3A_362 = arith.addf %add3A_355, %get3A_361 : vector<16xf32>
      %swap3A_363 = arith.index_cast %add3A_359 : i32 to index
      %swap3A_364 = tpu.vector_load %arg5[%swap3A_363] {strides = array<i32>} : memref<80384xf32, #tpu.memory_space<vmem>>, vector<16xf32>,
      tpu.vector_store %arg5[%swap3A_363], %broadcast_in_dim3A_36 {strides = array<i32>} : memref<80384xf32, #tpu.memory_space<vmem>>, vector<16xf32>,
      %add3A_365 = arith.constant 45216 : i32
      %add3A_366 = arith.addi %add3A_365, %add3A_304 : i32
      %get3A_367 = arith.index_cast %add3A_366 : i32 to index
      %get3A_368 = tpu.vector_load %arg5[%get3A_367] {strides = array<i32>} : memref<80384xf32, #tpu.memory_space<vmem>>, vector<16xf32>,
      %add3A_369 = arith.addf %add3A_362, %get3A_368 : vector<16xf32>
      %swap3A_370 = arith.index_cast %add3A_366 : i32 to index
      %swap3A_371 = tpu.vector_load %arg5[%swap3A_370] {strides = array<i32>} : memref<80384xf32, #tpu.memory_space<vmem>>, vector<16xf32>,
      tpu.vector_store %arg5[%swap3A_370], %broadcast_in_dim3A_36 {strides = array<i32>} : memref<80384xf32, #tpu.memory_space<vmem>>, vector<16xf32>,
      %add3A_372 = arith.constant 50240 : i32
      %add3A_373 = arith.addi %add3A_372, %add3A_304 : i32
      %get3A_374 = arith.index_cast %add3A_373 : i32 to index
      %get3A_375 = tpu.vector_load %arg5[%get3A_374] {strides = array<i32>} : memref<80384xf32, #tpu.memory_space<vmem>>, vector<16xf32>,
      %add3A_376 = arith.addf %add3A_369, %get3A_375 : vector<16xf32>
      %swap3A_377 = arith.index_cast %add3A_373 : i32 to index
      %swap3A_378 = tpu.vector_load %arg5[%swap3A_377] {strides = array<i32>} : memref<80384xf32, #tpu.memory_space<vmem>>, vector<16xf32>,
      tpu.vector_store %arg5[%swap3A_377], %broadcast_in_dim3A_36 {strides = array<i32>} : memref<80384xf32, #tpu.memory_space<vmem>>, vector<16xf32>,
      %add3A_379 = arith.constant 55264 : i32
      %add3A_380 = arith.addi %add3A_379, %add3A_304 : i32
      %get3A_381 = arith.index_cast %add3A_380 : i32 to index
      %get3A_382 = tpu.vector_load %arg5[%get3A_381] {strides = array<i32>} : memref<80384xf32, #tpu.memory_space<vmem>>, vector<16xf32>,
      %add3A_383 = arith.addf %add3A_376, %get3A_382 : vector<16xf32>
      %swap3A_384 = arith.index_cast %add3A_380 : i32 to index
      %swap3A_385 = tpu.vector_load %arg5[%swap3A_384] {strides = array<i32>} : memref<80384xf32, #tpu.memory_space<vmem>>, vector<16xf32>,
      tpu.vector_store %arg5[%swap3A_384], %broadcast_in_dim3A_36 {strides = array<i32>} : memref<80384xf32, #tpu.memory_space<vmem>>, vector<16xf32>,
      %add3A_386 = arith.constant 60288 : i32
      %add3A_387 = arith.addi %add3A_386, %add3A_304 : i32
      %get3A_388 = arith.index_cast %add3A_387 : i32 to index
      %get3A_389 = tpu.vector_load %arg5[%get3A_388] {strides = array<i32>} : memref<80384xf32, #tpu.memory_space<vmem>>, vector<16xf32>,
      %add3A_390 = arith.addf %add3A_383, %get3A_389 : vector<16xf32>
      %swap3A_391 = arith.index_cast %add3A_387 : i32 to index
      %swap3A_392 = tpu.vector_load %arg5[%swap3A_391] {strides = array<i32>} : memref<80384xf32, #tpu.memory_space<vmem>>, vector<16xf32>,
      tpu.vector_store %arg5[%swap3A_391], %broadcast_in_dim3A_36 {strides = array<i32>} : memref<80384xf32, #tpu.memory_space<vmem>>, vector<16xf32>,
      %add3A_393 = arith.constant 65312 : i32
      %add3A_394 = arith.addi %add3A_393, %add3A_304 : i32
      %get3A_395 = arith.index_cast %add3A_394 : i32 to index
      %get3A_396 = tpu.vector_load %arg5[%get3A_395] {strides = array<i32>} : memref<80384xf32, #tpu.memory_space<vmem>>, vector<16xf32>,
      %add3A_397 = arith.addf %add3A_390, %get3A_396 : vector<16xf32>
      %swap3A_398 = arith.index_cast %add3A_394 : i32 to index
      %swap3A_399 = tpu.vector_load %arg5[%swap3A_398] {strides = array<i32>} : memref<80384xf32, #tpu.memory_space<vmem>>, vector<16xf32>,
      tpu.vector_store %arg5[%swap3A_398], %broadcast_in_dim3A_36 {strides = array<i32>} : memref<80384xf32, #tpu.memory_space<vmem>>, vector<16xf32>,
      %add3A_400 = arith.constant 70336 : i32
      %add3A_401 = arith.addi %add3A_400, %add3A_304 : i32
      %get3A_402 = arith.index_cast %add3A_401 : i32 to index
      %get3A_403 = tpu.vector_load %arg5[%get3A_402] {strides = array<i32>} : memref<80384xf32, #tpu.memory_space<vmem>>, vector<16xf32>,
      %add3A_404 = arith.addf %add3A_397, %get3A_403 : vector<16xf32>
      %swap3A_405 = arith.index_cast %add3A_401 : i32 to index
      %swap3A_406 = tpu.vector_load %arg5[%swap3A_405] {strides = array<i32>} : memref<80384xf32, #tpu.memory_space<vmem>>, vector<16xf32>,
      tpu.vector_store %arg5[%swap3A_405], %broadcast_in_dim3A_36 {strides = array<i32>} : memref<80384xf32, #tpu.memory_space<vmem>>, vector<16xf32>,
      %add3A_407 = arith.constant 75360 : i32
      %add3A_408 = arith.addi %add3A_407, %add3A_304 : i32
      %get3A_409 = arith.index_cast %add3A_408 : i32 to index
      %get3A_410 = tpu.vector_load %arg5[%get3A_409] {strides = array<i32>} : memref<80384xf32, #tpu.memory_space<vmem>>, vector<16xf32>,
      %add3A_411 = arith.addf %add3A_404, %get3A_410 : vector<16xf32>
      %swap3A_412 = arith.index_cast %add3A_408 : i32 to index
      %swap3A_413 = tpu.vector_load %arg5[%swap3A_412] {strides = array<i32>} : memref<80384xf32, #tpu.memory_space<vmem>>, vector<16xf32>,
      tpu.vector_store %arg5[%swap3A_412], %broadcast_in_dim3A_36 {strides = array<i32>} : memref<80384xf32, #tpu.memory_space<vmem>>, vector<16xf32>,
      %swap3A_414 = arith.index_cast %add3A_304 : i32 to index
      %swap3A_415 = tpu.vector_load %arg8[%swap3A_414] {strides = array<i32>} : memref<5024xf32, #tpu.memory_space<vmem>>, vector<16xf32>,
      tpu.vector_store %arg8[%swap3A_414], %add3A_411 {strides = array<i32>} : memref<5024xf32, #tpu.memory_space<vmem>>, vector<16xf32>,
      %scan3A_416 = arith.constant 0 : i32
      scf.yield %scan3A_416 : i32
    }
    %scan3A_61 = arith.constant 157 : i32
    %scan3A_62 = arith.constant 0 : i32
    %scan3A_63 = arith.constant 0 : i32
    %scan3A_64 = arith.constant 392 : i32
    %scan3A_65 = arith.addi %scan3A_63, %scan3A_64 : i32
    %scan3A_66 = arith.constant 1 : i32
    %scan3A_67 = scf.for %scan3A_186 = %scan3A_63 to %scan3A_65 step %scan3A_66 iter_args(%scan3A_187 = %scan3A_62) -> (i32)  : i32 {
      %mul3A_188 = arith.constant 32 : i32
      %mul3A_189 = arith.muli %scan3A_186, %mul3A_188 : i32
      %add3A_190 = arith.constant 0 : i32
      %add3A_191 = arith.addi %mul3A_189, %add3A_190 : i32
      %get3A = arith.index_cast %add3A_191 : i32 to index
      %get3A_192 = tpu.vector_load %arg6[%get3A] {strides = array<i32>} : memref<12544xi32, #tpu.memory_space<vmem>>, vector<16xi32>,
      %mul3A_193 = arith.constant 32 : i32
      %mul3A_194 = arith.muli %scan3A_186, %mul3A_193 : i32
      %add3A_195 = arith.constant 0 : i32
      %add3A_196 = arith.addi %mul3A_194, %add3A_195 : i32
      %get3A_197 = arith.index_cast %add3A_196 : i32 to index
      %get3A_198 = tpu.vector_load %arg7[%get3A_197] {strides = array<i32>} : memref<12544xf32, #tpu.memory_space<vmem>>, vector<16xf32>,
      %add3A_199 = arith.addi %mul3A_47, %get3A_192 : vector<16xi32>
      tpu.vector_store_idx %arg5[%add3A_199], %get3A_198 {add = true} : memref<80384xf32, #tpu.memory_space<vmem>>[vector<16xi32>], vector<16xf32>,
      %mul3A_200 = arith.constant 32 : i32
      %mul3A_201 = arith.muli %scan3A_186, %mul3A_200 : i32
      %add3A_202 = arith.constant 16 : i32
      %add3A_203 = arith.addi %mul3A_201, %add3A_202 : i32
      %get3A_204 = arith.index_cast %add3A_203 : i32 to index
      %get3A_205 = tpu.vector_load %arg6[%get3A_204] {strides = array<i32>} : memref<12544xi32, #tpu.memory_space<vmem>>, vector<16xi32>,
      %mul3A_206 = arith.constant 32 : i32
      %mul3A_207 = arith.muli %scan3A_186, %mul3A_206 : i32
      %add3A_208 = arith.constant 16 : i32
      %add3A_209 = arith.addi %mul3A_207, %add3A_208 : i32
      %get3A_210 = arith.index_cast %add3A_209 : i32 to index
      %get3A_211 = tpu.vector_load %arg7[%get3A_210] {strides = array<i32>} : memref<12544xf32, #tpu.memory_space<vmem>>, vector<16xf32>,
      %add3A_212 = arith.addi %mul3A_47, %get3A_205 : vector<16xi32>
      tpu.vector_store_idx %arg5[%add3A_212], %get3A_211 {add = true} : memref<80384xf32, #tpu.memory_space<vmem>>[vector<16xi32>], vector<16xf32>,
      %scan3A_213 = arith.constant 0 : i32
      scf.yield %scan3A_213 : i32
    }
    %scan3A_68 = arith.constant 392 : i32
    %scan3A_69 = arith.constant 0 : i32
    %scan3A_70 = arith.constant 0 : i32
    %scan3A_71 = arith.constant 157 : i32
    %scan3A_72 = arith.addi %scan3A_70, %scan3A_71 : i32
    %scan3A_73 = arith.constant 1 : i32
    %scan3A_74 = scf.for %scan3A_186 = %scan3A_70 to %scan3A_72 step %scan3A_73 iter_args(%scan3A_187 = %scan3A_69) -> (i32)  : i32 {
      %mul3A_188 = arith.constant 32 : i32
      %mul3A_189 = arith.muli %scan3A_186, %mul3A_188 : i32
      %add3A_190 = arith.constant 0 : i32
      %add3A_191 = arith.addi %mul3A_189, %add3A_190 : i32
      %get3A = arith.index_cast %add3A_191 : i32 to index
      %get3A_192 = tpu.vector_load %arg5[%get3A] {strides = array<i32>} : memref<80384xf32, #tpu.memory_space<vmem>>, vector<16xf32>,
      %add3A_193 = arith.constant 5024 : i32
      %add3A_194 = arith.addi %add3A_193, %add3A_191 : i32
      %get3A_195 = arith.index_cast %add3A_194 : i32 to index
      %get3A_196 = tpu.vector_load %arg5[%get3A_195] {strides = array<i32>} : memref<80384xf32, #tpu.memory_space<vmem>>, vector<16xf32>,
      %add3A_197 = arith.addf %get3A_192, %get3A_196 : vector<16xf32>
      %add3A_198 = arith.constant 10048 : i32
      %add3A_199 = arith.addi %add3A_198, %add3A_191 : i32
      %get3A_200 = arith.index_cast %add3A_199 : i32 to index
      %get3A_201 = tpu.vector_load %arg5[%get3A_200] {strides = array<i32>} : memref<80384xf32, #tpu.memory_space<vmem>>, vector<16xf32>,
      %add3A_202 = arith.addf %add3A_197, %get3A_201 : vector<16xf32>
      %add3A_203 = arith.constant 15072 : i32
      %add3A_204 = arith.addi %add3A_203, %add3A_191 : i32
      %get3A_205 = arith.index_cast %add3A_204 : i32 to index
      %get3A_206 = tpu.vector_load %arg5[%get3A_205] {strides = array<i32>} : memref<80384xf32, #tpu.memory_space<vmem>>, vector<16xf32>,
      %add3A_207 = arith.addf %add3A_202, %get3A_206 : vector<16xf32>
      %add3A_208 = arith.constant 20096 : i32
      %add3A_209 = arith.addi %add3A_208, %add3A_191 : i32
      %get3A_210 = arith.index_cast %add3A_209 : i32 to index
      %get3A_211 = tpu.vector_load %arg5[%get3A_210] {strides = array<i32>} : memref<80384xf32, #tpu.memory_space<vmem>>, vector<16xf32>,
      %add3A_212 = arith.addf %add3A_207, %get3A_211 : vector<16xf32>
      %add3A_213 = arith.constant 25120 : i32
      %add3A_214 = arith.addi %add3A_213, %add3A_191 : i32
      %get3A_215 = arith.index_cast %add3A_214 : i32 to index
      %get3A_216 = tpu.vector_load %arg5[%get3A_215] {strides = array<i32>} : memref<80384xf32, #tpu.memory_space<vmem>>, vector<16xf32>,
      %add3A_217 = arith.addf %add3A_212, %get3A_216 : vector<16xf32>
      %add3A_218 = arith.constant 30144 : i32
      %add3A_219 = arith.addi %add3A_218, %add3A_191 : i32
      %get3A_220 = arith.index_cast %add3A_219 : i32 to index
      %get3A_221 = tpu.vector_load %arg5[%get3A_220] {strides = array<i32>} : memref<80384xf32, #tpu.memory_space<vmem>>, vector<16xf32>,
      %add3A_222 = arith.addf %add3A_217, %get3A_221 : vector<16xf32>
      %add3A_223 = arith.constant 35168 : i32
      %add3A_224 = arith.addi %add3A_223, %add3A_191 : i32
      %get3A_225 = arith.index_cast %add3A_224 : i32 to index
      %get3A_226 = tpu.vector_load %arg5[%get3A_225] {strides = array<i32>} : memref<80384xf32, #tpu.memory_space<vmem>>, vector<16xf32>,
      %add3A_227 = arith.addf %add3A_222, %get3A_226 : vector<16xf32>
      %add3A_228 = arith.constant 40192 : i32
      %add3A_229 = arith.addi %add3A_228, %add3A_191 : i32
      %get3A_230 = arith.index_cast %add3A_229 : i32 to index
      %get3A_231 = tpu.vector_load %arg5[%get3A_230] {strides = array<i32>} : memref<80384xf32, #tpu.memory_space<vmem>>, vector<16xf32>,
      %add3A_232 = arith.addf %add3A_227, %get3A_231 : vector<16xf32>
      %add3A_233 = arith.constant 45216 : i32
      %add3A_234 = arith.addi %add3A_233, %add3A_191 : i32
      %get3A_235 = arith.index_cast %add3A_234 : i32 to index
      %get3A_236 = tpu.vector_load %arg5[%get3A_235] {strides = array<i32>} : memref<80384xf32, #tpu.memory_space<vmem>>, vector<16xf32>,
      %add3A_237 = arith.addf %add3A_232, %get3A_236 : vector<16xf32>
      %add3A_238 = arith.constant 50240 : i32
      %add3A_239 = arith.addi %add3A_238, %add3A_191 : i32
      %get3A_240 = arith.index_cast %add3A_239 : i32 to index
      %get3A_241 = tpu.vector_load %arg5[%get3A_240] {strides = array<i32>} : memref<80384xf32, #tpu.memory_space<vmem>>, vector<16xf32>,
      %add3A_242 = arith.addf %add3A_237, %get3A_241 : vector<16xf32>
      %add3A_243 = arith.constant 55264 : i32
      %add3A_244 = arith.addi %add3A_243, %add3A_191 : i32
      %get3A_245 = arith.index_cast %add3A_244 : i32 to index
      %get3A_246 = tpu.vector_load %arg5[%get3A_245] {strides = array<i32>} : memref<80384xf32, #tpu.memory_space<vmem>>, vector<16xf32>,
      %add3A_247 = arith.addf %add3A_242, %get3A_246 : vector<16xf32>
      %add3A_248 = arith.constant 60288 : i32
      %add3A_249 = arith.addi %add3A_248, %add3A_191 : i32
      %get3A_250 = arith.index_cast %add3A_249 : i32 to index
      %get3A_251 = tpu.vector_load %arg5[%get3A_250] {strides = array<i32>} : memref<80384xf32, #tpu.memory_space<vmem>>, vector<16xf32>,
      %add3A_252 = arith.addf %add3A_247, %get3A_251 : vector<16xf32>
      %add3A_253 = arith.constant 65312 : i32
      %add3A_254 = arith.addi %add3A_253, %add3A_191 : i32
      %get3A_255 = arith.index_cast %add3A_254 : i32 to index
      %get3A_256 = tpu.vector_load %arg5[%get3A_255] {strides = array<i32>} : memref<80384xf32, #tpu.memory_space<vmem>>, vector<16xf32>,
      %add3A_257 = arith.addf %add3A_252, %get3A_256 : vector<16xf32>
      %add3A_258 = arith.constant 70336 : i32
      %add3A_259 = arith.addi %add3A_258, %add3A_191 : i32
      %get3A_260 = arith.index_cast %add3A_259 : i32 to index
      %get3A_261 = tpu.vector_load %arg5[%get3A_260] {strides = array<i32>} : memref<80384xf32, #tpu.memory_space<vmem>>, vector<16xf32>,
      %add3A_262 = arith.addf %add3A_257, %get3A_261 : vector<16xf32>
      %add3A_263 = arith.constant 75360 : i32
      %add3A_264 = arith.addi %add3A_263, %add3A_191 : i32
      %get3A_265 = arith.index_cast %add3A_264 : i32 to index
      %get3A_266 = tpu.vector_load %arg5[%get3A_265] {strides = array<i32>} : memref<80384xf32, #tpu.memory_space<vmem>>, vector<16xf32>,
      %add3A_267 = arith.addf %add3A_262, %get3A_266 : vector<16xf32>
      %swap3A = arith.index_cast %add3A_191 : i32 to index
      %swap3A_268 = tpu.vector_load %arg9[%swap3A] {strides = array<i32>} : memref<5024xf32, #tpu.memory_space<vmem>>, vector<16xf32>,
      tpu.vector_store %arg9[%swap3A], %add3A_267 {strides = array<i32>} : memref<5024xf32, #tpu.memory_space<vmem>>, vector<16xf32>,
      %mul3A_269 = arith.constant 32 : i32
      %mul3A_270 = arith.muli %scan3A_186, %mul3A_269 : i32
      %add3A_271 = arith.constant 16 : i32
      %add3A_272 = arith.addi %mul3A_270, %add3A_271 : i32
      %get3A_273 = arith.index_cast %add3A_272 : i32 to index
      %get3A_274 = tpu.vector_load %arg5[%get3A_273] {strides = array<i32>} : memref<80384xf32, #tpu.memory_space<vmem>>, vector<16xf32>,
      %add3A_275 = arith.constant 5024 : i32
      %add3A_276 = arith.addi %add3A_275, %add3A_272 : i32
      %get3A_277 = arith.index_cast %add3A_276 : i32 to index
      %get3A_278 = tpu.vector_load %arg5[%get3A_277] {strides = array<i32>} : memref<80384xf32, #tpu.memory_space<vmem>>, vector<16xf32>,
      %add3A_279 = arith.addf %get3A_274, %get3A_278 : vector<16xf32>
      %add3A_280 = arith.constant 10048 : i32
      %add3A_281 = arith.addi %add3A_280, %add3A_272 : i32
      %get3A_282 = arith.index_cast %add3A_281 : i32 to index
      %get3A_283 = tpu.vector_load %arg5[%get3A_282] {strides = array<i32>} : memref<80384xf32, #tpu.memory_space<vmem>>, vector<16xf32>,
      %add3A_284 = arith.addf %add3A_279, %get3A_283 : vector<16xf32>
      %add3A_285 = arith.constant 15072 : i32
      %add3A_286 = arith.addi %add3A_285, %add3A_272 : i32
      %get3A_287 = arith.index_cast %add3A_286 : i32 to index
      %get3A_288 = tpu.vector_load %arg5[%get3A_287] {strides = array<i32>} : memref<80384xf32, #tpu.memory_space<vmem>>, vector<16xf32>,
      %add3A_289 = arith.addf %add3A_284, %get3A_288 : vector<16xf32>
      %add3A_290 = arith.constant 20096 : i32
      %add3A_291 = arith.addi %add3A_290, %add3A_272 : i32
      %get3A_292 = arith.index_cast %add3A_291 : i32 to index
      %get3A_293 = tpu.vector_load %arg5[%get3A_292] {strides = array<i32>} : memref<80384xf32, #tpu.memory_space<vmem>>, vector<16xf32>,
      %add3A_294 = arith.addf %add3A_289, %get3A_293 : vector<16xf32>
      %add3A_295 = arith.constant 25120 : i32
      %add3A_296 = arith.addi %add3A_295, %add3A_272 : i32
      %get3A_297 = arith.index_cast %add3A_296 : i32 to index
      %get3A_298 = tpu.vector_load %arg5[%get3A_297] {strides = array<i32>} : memref<80384xf32, #tpu.memory_space<vmem>>, vector<16xf32>,
      %add3A_299 = arith.addf %add3A_294, %get3A_298 : vector<16xf32>
      %add3A_300 = arith.constant 30144 : i32
      %add3A_301 = arith.addi %add3A_300, %add3A_272 : i32
      %get3A_302 = arith.index_cast %add3A_301 : i32 to index
      %get3A_303 = tpu.vector_load %arg5[%get3A_302] {strides = array<i32>} : memref<80384xf32, #tpu.memory_space<vmem>>, vector<16xf32>,
      %add3A_304 = arith.addf %add3A_299, %get3A_303 : vector<16xf32>
      %add3A_305 = arith.constant 35168 : i32
      %add3A_306 = arith.addi %add3A_305, %add3A_272 : i32
      %get3A_307 = arith.index_cast %add3A_306 : i32 to index
      %get3A_308 = tpu.vector_load %arg5[%get3A_307] {strides = array<i32>} : memref<80384xf32, #tpu.memory_space<vmem>>, vector<16xf32>,
      %add3A_309 = arith.addf %add3A_304, %get3A_308 : vector<16xf32>
      %add3A_310 = arith.constant 40192 : i32
      %add3A_311 = arith.addi %add3A_310, %add3A_272 : i32
      %get3A_312 = arith.index_cast %add3A_311 : i32 to index
      %get3A_313 = tpu.vector_load %arg5[%get3A_312] {strides = array<i32>} : memref<80384xf32, #tpu.memory_space<vmem>>, vector<16xf32>,
      %add3A_314 = arith.addf %add3A_309, %get3A_313 : vector<16xf32>
      %add3A_315 = arith.constant 45216 : i32
      %add3A_316 = arith.addi %add3A_315, %add3A_272 : i32
      %get3A_317 = arith.index_cast %add3A_316 : i32 to index
      %get3A_318 = tpu.vector_load %arg5[%get3A_317] {strides = array<i32>} : memref<80384xf32, #tpu.memory_space<vmem>>, vector<16xf32>,
      %add3A_319 = arith.addf %add3A_314, %get3A_318 : vector<16xf32>
      %add3A_320 = arith.constant 50240 : i32
      %add3A_321 = arith.addi %add3A_320, %add3A_272 : i32
      %get3A_322 = arith.index_cast %add3A_321 : i32 to index
      %get3A_323 = tpu.vector_load %arg5[%get3A_322] {strides = array<i32>} : memref<80384xf32, #tpu.memory_space<vmem>>, vector<16xf32>,
      %add3A_324 = arith.addf %add3A_319, %get3A_323 : vector<16xf32>
      %add3A_325 = arith.constant 55264 : i32
      %add3A_326 = arith.addi %add3A_325, %add3A_272 : i32
      %get3A_327 = arith.index_cast %add3A_326 : i32 to index
      %get3A_328 = tpu.vector_load %arg5[%get3A_327] {strides = array<i32>} : memref<80384xf32, #tpu.memory_space<vmem>>, vector<16xf32>,
      %add3A_329 = arith.addf %add3A_324, %get3A_328 : vector<16xf32>
      %add3A_330 = arith.constant 60288 : i32
      %add3A_331 = arith.addi %add3A_330, %add3A_272 : i32
      %get3A_332 = arith.index_cast %add3A_331 : i32 to index
      %get3A_333 = tpu.vector_load %arg5[%get3A_332] {strides = array<i32>} : memref<80384xf32, #tpu.memory_space<vmem>>, vector<16xf32>,
      %add3A_334 = arith.addf %add3A_329, %get3A_333 : vector<16xf32>
      %add3A_335 = arith.constant 65312 : i32
      %add3A_336 = arith.addi %add3A_335, %add3A_272 : i32
      %get3A_337 = arith.index_cast %add3A_336 : i32 to index
      %get3A_338 = tpu.vector_load %arg5[%get3A_337] {strides = array<i32>} : memref<80384xf32, #tpu.memory_space<vmem>>, vector<16xf32>,
      %add3A_339 = arith.addf %add3A_334, %get3A_338 : vector<16xf32>
      %add3A_340 = arith.constant 70336 : i32
      %add3A_341 = arith.addi %add3A_340, %add3A_272 : i32
      %get3A_342 = arith.index_cast %add3A_341 : i32 to index
      %get3A_343 = tpu.vector_load %arg5[%get3A_342] {strides = array<i32>} : memref<80384xf32, #tpu.memory_space<vmem>>, vector<16xf32>,
      %add3A_344 = arith.addf %add3A_339, %get3A_343 : vector<16xf32>
      %add3A_345 = arith.constant 75360 : i32
      %add3A_346 = arith.addi %add3A_345, %add3A_272 : i32
      %get3A_347 = arith.index_cast %add3A_346 : i32 to index
      %get3A_348 = tpu.vector_load %arg5[%get3A_347] {strides = array<i32>} : memref<80384xf32, #tpu.memory_space<vmem>>, vector<16xf32>,
      %add3A_349 = arith.addf %add3A_344, %get3A_348 : vector<16xf32>
      %swap3A_350 = arith.index_cast %add3A_272 : i32 to index
      %swap3A_351 = tpu.vector_load %arg9[%swap3A_350] {strides = array<i32>} : memref<5024xf32, #tpu.memory_space<vmem>>, vector<16xf32>,
      tpu.vector_store %arg9[%swap3A_350], %add3A_349 {strides = array<i32>} : memref<5024xf32, #tpu.memory_space<vmem>>, vector<16xf32>,
      %scan3A_352 = arith.constant 0 : i32
      scf.yield %scan3A_352 : i32
    }
    %scan3A_75 = arith.constant 157 : i32
    %run_scoped3A = arith.constant 0 : i32
    "tpu.region"() ({
      %run_scoped3A_186 = tpu.sem_alloc : memref<!tpu.dma_semaphore, #tpu.memory_space<semaphore_mem>>
      %dma_start3A = arith.constant 0 : i32
      %dma_start3A_187 = tpu.memref_slice %arg12[%arg1, %run_scoped3A, %dma_start3A] : memref<16x2x5024xf32, #tpu.memory_space<vmem_shared>> -> memref<1x1x5024xf32, #tpu.memory_space<vmem_shared>>
      %dma_start3A_188 = tpu.memref_squeeze %dma_start3A_187 : memref<1x1x5024xf32, #tpu.memory_space<vmem_shared>> -> memref<5024xf32, #tpu.memory_space<vmem_shared>>
      %dma_start3A_189 = arith.constant 0 : i32
      %dma_start3A_190 = tpu.memref_slice %arg12[%arg1, %run_scoped3A, %dma_start3A_189] : memref<16x2x5024xf32, #tpu.memory_space<vmem_shared>> -> memref<1x1x5024xf32, #tpu.memory_space<vmem_shared>>
      %dma_start3A_191 = tpu.memref_squeeze %dma_start3A_190 : memref<1x1x5024xf32, #tpu.memory_space<vmem_shared>> -> memref<5024xf32, #tpu.memory_space<vmem_shared>>
      tpu.enqueue_dma source(%arg8 : memref<5024xf32, #tpu.memory_space<vmem>>) target(%dma_start3A_191 : memref<5024xf32, #tpu.memory_space<vmem_shared>>) target_semaphore(%run_scoped3A_186 : memref<!tpu.dma_semaphore, #tpu.memory_space<semaphore_mem>>)
      %dma_wait3A = arith.constant 0 : i32
      %dma_wait3A_192 = tpu.memref_slice %arg12[%arg1, %run_scoped3A, %dma_wait3A] : memref<16x2x5024xf32, #tpu.memory_space<vmem_shared>> -> memref<1x1x5024xf32, #tpu.memory_space<vmem_shared>>
      %dma_wait3A_193 = tpu.memref_squeeze %dma_wait3A_192 : memref<1x1x5024xf32, #tpu.memory_space<vmem_shared>> -> memref<5024xf32, #tpu.memory_space<vmem_shared>>
      %dma_wait3A_194 = arith.constant 0 : i32
      %dma_wait3A_195 = tpu.memref_slice %arg12[%arg1, %run_scoped3A, %dma_wait3A_194] : memref<16x2x5024xf32, #tpu.memory_space<vmem_shared>> -> memref<1x1x5024xf32, #tpu.memory_space<vmem_shared>>
      %dma_wait3A_196 = tpu.memref_squeeze %dma_wait3A_195 : memref<1x1x5024xf32, #tpu.memory_space<vmem_shared>> -> memref<5024xf32, #tpu.memory_space<vmem_shared>>
      tpu.wait_dma2 semaphore(%run_scoped3A_186 : memref<!tpu.dma_semaphore, #tpu.memory_space<semaphore_mem>>) src(%arg8 : memref<5024xf32, #tpu.memory_space<vmem>>) dst(%dma_wait3A_196 : memref<5024xf32, #tpu.memory_space<vmem_shared>>)
      tpu.yield
    }) : () -> ()
    %run_scoped3A_76 = arith.constant 1 : i32
    "tpu.region"() ({
      %run_scoped3A_186 = tpu.sem_alloc : memref<!tpu.dma_semaphore, #tpu.memory_space<semaphore_mem>>
      %dma_start3A = arith.constant 0 : i32
      %dma_start3A_187 = tpu.memref_slice %arg12[%arg1, %run_scoped3A_76, %dma_start3A] : memref<16x2x5024xf32, #tpu.memory_space<vmem_shared>> -> memref<1x1x5024xf32, #tpu.memory_space<vmem_shared>>
      %dma_start3A_188 = tpu.memref_squeeze %dma_start3A_187 : memref<1x1x5024xf32, #tpu.memory_space<vmem_shared>> -> memref<5024xf32, #tpu.memory_space<vmem_shared>>
      %dma_start3A_189 = arith.constant 0 : i32
      %dma_start3A_190 = tpu.memref_slice %arg12[%arg1, %run_scoped3A_76, %dma_start3A_189] : memref<16x2x5024xf32, #tpu.memory_space<vmem_shared>> -> memref<1x1x5024xf32, #tpu.memory_space<vmem_shared>>
      %dma_start3A_191 = tpu.memref_squeeze %dma_start3A_190 : memref<1x1x5024xf32, #tpu.memory_space<vmem_shared>> -> memref<5024xf32, #tpu.memory_space<vmem_shared>>
      tpu.enqueue_dma source(%arg9 : memref<5024xf32, #tpu.memory_space<vmem>>) target(%dma_start3A_191 : memref<5024xf32, #tpu.memory_space<vmem_shared>>) target_semaphore(%run_scoped3A_186 : memref<!tpu.dma_semaphore, #tpu.memory_space<semaphore_mem>>)
      %dma_wait3A = arith.constant 0 : i32
      %dma_wait3A_192 = tpu.memref_slice %arg12[%arg1, %run_scoped3A_76, %dma_wait3A] : memref<16x2x5024xf32, #tpu.memory_space<vmem_shared>> -> memref<1x1x5024xf32, #tpu.memory_space<vmem_shared>>
      %dma_wait3A_193 = tpu.memref_squeeze %dma_wait3A_192 : memref<1x1x5024xf32, #tpu.memory_space<vmem_shared>> -> memref<5024xf32, #tpu.memory_space<vmem_shared>>
      %dma_wait3A_194 = arith.constant 0 : i32
      %dma_wait3A_195 = tpu.memref_slice %arg12[%arg1, %run_scoped3A_76, %dma_wait3A_194] : memref<16x2x5024xf32, #tpu.memory_space<vmem_shared>> -> memref<1x1x5024xf32, #tpu.memory_space<vmem_shared>>
      %dma_wait3A_196 = tpu.memref_squeeze %dma_wait3A_195 : memref<1x1x5024xf32, #tpu.memory_space<vmem_shared>> -> memref<5024xf32, #tpu.memory_space<vmem_shared>>
      tpu.wait_dma2 semaphore(%run_scoped3A_186 : memref<!tpu.dma_semaphore, #tpu.memory_space<semaphore_mem>>) src(%arg9 : memref<5024xf32, #tpu.memory_space<vmem>>) dst(%dma_wait3A_196 : memref<5024xf32, #tpu.memory_space<vmem_shared>>)
      tpu.yield
    }) : () -> ()
    %barrier3A = arith.constant 0 : index
    tpu.barrier barrier_id(%barrier3A)
    %sub3A_77 = arith.subi %arg1, %select_n3A_30 : i32
    %add3A_78 = arith.constant 1 : i32
    %add3A_79 = arith.addi %select_n3A_30, %add3A_78 : i32
    %jit3A_80 = arith.constant 4 : i32
    %eq3A_81 = arith.constant 0 : i32
    %eq3A_82 = arith.cmpi eq, %jit3A_80, %eq3A_81 : i32
    %jit3A_83 = arith.constant 1 : i32
    %select_n3A_84 = arith.select %eq3A_82, %jit3A_83, %jit3A_80 : i32
    %rem3A_85 = arith.remsi %add3A_79, %select_n3A_84 : i32
    %ne3A_86 = arith.constant 0 : i32
    %ne3A_87 = arith.cmpi ne, %rem3A_85, %ne3A_86 : i32
    %lt3A_88 = arith.constant 0 : i32
    %lt3A_89 = arith.cmpi slt, %rem3A_85, %lt3A_88 : i32
    %lt3A_90 = arith.constant 0 : i32
    %lt3A_91 = arith.cmpi slt, %select_n3A_84, %lt3A_90 : i32
    %ne3A_92 = arith.xori %lt3A_89, %lt3A_91 : i1
    %and3A_93 = arith.andi %ne3A_92, %ne3A_87 : i1
    %add3A_94 = arith.addi %rem3A_85, %select_n3A_84 : i32
    %select_n3A_95 = arith.select %and3A_93, %add3A_94, %rem3A_85 : i32
    %add3A_96 = arith.addi %sub3A_77, %select_n3A_95 : i32
    %run_scoped3A_97 = arith.constant 0 : i32
    "tpu.region"() ({
      %run_scoped3A_186 = tpu.sem_alloc : memref<!tpu.dma_semaphore, #tpu.memory_space<semaphore_mem>>
      %dma_start3A = arith.constant 0 : i32
      %dma_start3A_187 = tpu.memref_slice %arg12[%add3A_96, %run_scoped3A_97, %dma_start3A] : memref<16x2x5024xf32, #tpu.memory_space<vmem_shared>> -> memref<1x1x5024xf32, #tpu.memory_space<vmem_shared>>
      %dma_start3A_188 = tpu.memref_squeeze %dma_start3A_187 : memref<1x1x5024xf32, #tpu.memory_space<vmem_shared>> -> memref<5024xf32, #tpu.memory_space<vmem_shared>>
      %dma_start3A_189 = arith.constant 0 : i32
      %dma_start3A_190 = tpu.memref_slice %arg12[%add3A_96, %run_scoped3A_97, %dma_start3A_189] : memref<16x2x5024xf32, #tpu.memory_space<vmem_shared>> -> memref<1x1x5024xf32, #tpu.memory_space<vmem_shared>>
      %dma_start3A_191 = tpu.memref_squeeze %dma_start3A_190 : memref<1x1x5024xf32, #tpu.memory_space<vmem_shared>> -> memref<5024xf32, #tpu.memory_space<vmem_shared>>
      tpu.enqueue_dma source(%dma_start3A_191 : memref<5024xf32, #tpu.memory_space<vmem_shared>>) target(%arg10 : memref<5024xf32, #tpu.memory_space<vmem>>) target_semaphore(%run_scoped3A_186 : memref<!tpu.dma_semaphore, #tpu.memory_space<semaphore_mem>>)
      %dma_wait3A = arith.constant 0 : i32
      %dma_wait3A_192 = tpu.memref_slice %arg12[%add3A_96, %run_scoped3A_97, %dma_wait3A] : memref<16x2x5024xf32, #tpu.memory_space<vmem_shared>> -> memref<1x1x5024xf32, #tpu.memory_space<vmem_shared>>
      %dma_wait3A_193 = tpu.memref_squeeze %dma_wait3A_192 : memref<1x1x5024xf32, #tpu.memory_space<vmem_shared>> -> memref<5024xf32, #tpu.memory_space<vmem_shared>>
      %dma_wait3A_194 = arith.constant 0 : i32
      %dma_wait3A_195 = tpu.memref_slice %arg12[%add3A_96, %run_scoped3A_97, %dma_wait3A_194] : memref<16x2x5024xf32, #tpu.memory_space<vmem_shared>> -> memref<1x1x5024xf32, #tpu.memory_space<vmem_shared>>
      %dma_wait3A_196 = tpu.memref_squeeze %dma_wait3A_195 : memref<1x1x5024xf32, #tpu.memory_space<vmem_shared>> -> memref<5024xf32, #tpu.memory_space<vmem_shared>>
      tpu.wait_dma2 semaphore(%run_scoped3A_186 : memref<!tpu.dma_semaphore, #tpu.memory_space<semaphore_mem>>) src(%dma_wait3A_196 : memref<5024xf32, #tpu.memory_space<vmem_shared>>) dst(%arg10 : memref<5024xf32, #tpu.memory_space<vmem>>)
      tpu.yield
    }) : () -> ()
    %scan3A_98 = arith.constant 0 : i32
    %scan3A_99 = arith.constant 0 : i32
    %scan3A_100 = arith.constant 157 : i32
    %scan3A_101 = arith.addi %scan3A_99, %scan3A_100 : i32
    %scan3A_102 = arith.constant 1 : i32
    %scan3A_103 = scf.for %scan3A_186 = %scan3A_99 to %scan3A_101 step %scan3A_102 iter_args(%scan3A_187 = %scan3A_98) -> (i32)  : i32 {
      %mul3A_188 = arith.constant 32 : i32
      %mul3A_189 = arith.muli %scan3A_186, %mul3A_188 : i32
      %add3A_190 = arith.constant 0 : i32
      %add3A_191 = arith.addi %mul3A_189, %add3A_190 : i32
      %get3A = arith.index_cast %add3A_191 : i32 to index
      %get3A_192 = tpu.vector_load %arg8[%get3A] {strides = array<i32>} : memref<5024xf32, #tpu.memory_space<vmem>>, vector<16xf32>,
      %get3A_193 = arith.index_cast %add3A_191 : i32 to index
      %get3A_194 = tpu.vector_load %arg10[%get3A_193] {strides = array<i32>} : memref<5024xf32, #tpu.memory_space<vmem>>, vector<16xf32>,
      %add3A_195 = arith.addf %get3A_192, %get3A_194 : vector<16xf32>
      %swap3A = arith.index_cast %add3A_191 : i32 to index
      %swap3A_196 = tpu.vector_load %arg8[%swap3A] {strides = array<i32>} : memref<5024xf32, #tpu.memory_space<vmem>>, vector<16xf32>,
      tpu.vector_store %arg8[%swap3A], %add3A_195 {strides = array<i32>} : memref<5024xf32, #tpu.memory_space<vmem>>, vector<16xf32>,
      %mul3A_197 = arith.constant 32 : i32
      %mul3A_198 = arith.muli %scan3A_186, %mul3A_197 : i32
      %add3A_199 = arith.constant 16 : i32
      %add3A_200 = arith.addi %mul3A_198, %add3A_199 : i32
      %get3A_201 = arith.index_cast %add3A_200 : i32 to index
      %get3A_202 = tpu.vector_load %arg8[%get3A_201] {strides = array<i32>} : memref<5024xf32, #tpu.memory_space<vmem>>, vector<16xf32>,
      %get3A_203 = arith.index_cast %add3A_200 : i32 to index
      %get3A_204 = tpu.vector_load %arg10[%get3A_203] {strides = array<i32>} : memref<5024xf32, #tpu.memory_space<vmem>>, vector<16xf32>,
      %add3A_205 = arith.addf %get3A_202, %get3A_204 : vector<16xf32>
      %swap3A_206 = arith.index_cast %add3A_200 : i32 to index
      %swap3A_207 = tpu.vector_load %arg8[%swap3A_206] {strides = array<i32>} : memref<5024xf32, #tpu.memory_space<vmem>>, vector<16xf32>,
      tpu.vector_store %arg8[%swap3A_206], %add3A_205 {strides = array<i32>} : memref<5024xf32, #tpu.memory_space<vmem>>, vector<16xf32>,
      %scan3A_208 = arith.constant 0 : i32
      scf.yield %scan3A_208 : i32
    }
    %scan3A_104 = arith.constant 157 : i32
    %run_scoped3A_105 = arith.constant 1 : i32
    "tpu.region"() ({
      %run_scoped3A_186 = tpu.sem_alloc : memref<!tpu.dma_semaphore, #tpu.memory_space<semaphore_mem>>
      %dma_start3A = arith.constant 0 : i32
      %dma_start3A_187 = tpu.memref_slice %arg12[%add3A_96, %run_scoped3A_105, %dma_start3A] : memref<16x2x5024xf32, #tpu.memory_space<vmem_shared>> -> memref<1x1x5024xf32, #tpu.memory_space<vmem_shared>>
      %dma_start3A_188 = tpu.memref_squeeze %dma_start3A_187 : memref<1x1x5024xf32, #tpu.memory_space<vmem_shared>> -> memref<5024xf32, #tpu.memory_space<vmem_shared>>
      %dma_start3A_189 = arith.constant 0 : i32
      %dma_start3A_190 = tpu.memref_slice %arg12[%add3A_96, %run_scoped3A_105, %dma_start3A_189] : memref<16x2x5024xf32, #tpu.memory_space<vmem_shared>> -> memref<1x1x5024xf32, #tpu.memory_space<vmem_shared>>
      %dma_start3A_191 = tpu.memref_squeeze %dma_start3A_190 : memref<1x1x5024xf32, #tpu.memory_space<vmem_shared>> -> memref<5024xf32, #tpu.memory_space<vmem_shared>>
      tpu.enqueue_dma source(%dma_start3A_191 : memref<5024xf32, #tpu.memory_space<vmem_shared>>) target(%arg10 : memref<5024xf32, #tpu.memory_space<vmem>>) target_semaphore(%run_scoped3A_186 : memref<!tpu.dma_semaphore, #tpu.memory_space<semaphore_mem>>)
      %dma_wait3A = arith.constant 0 : i32
      %dma_wait3A_192 = tpu.memref_slice %arg12[%add3A_96, %run_scoped3A_105, %dma_wait3A] : memref<16x2x5024xf32, #tpu.memory_space<vmem_shared>> -> memref<1x1x5024xf32, #tpu.memory_space<vmem_shared>>
      %dma_wait3A_193 = tpu.memref_squeeze %dma_wait3A_192 : memref<1x1x5024xf32, #tpu.memory_space<vmem_shared>> -> memref<5024xf32, #tpu.memory_space<vmem_shared>>
      %dma_wait3A_194 = arith.constant 0 : i32
      %dma_wait3A_195 = tpu.memref_slice %arg12[%add3A_96, %run_scoped3A_105, %dma_wait3A_194] : memref<16x2x5024xf32, #tpu.memory_space<vmem_shared>> -> memref<1x1x5024xf32, #tpu.memory_space<vmem_shared>>
      %dma_wait3A_196 = tpu.memref_squeeze %dma_wait3A_195 : memref<1x1x5024xf32, #tpu.memory_space<vmem_shared>> -> memref<5024xf32, #tpu.memory_space<vmem_shared>>
      tpu.wait_dma2 semaphore(%run_scoped3A_186 : memref<!tpu.dma_semaphore, #tpu.memory_space<semaphore_mem>>) src(%dma_wait3A_196 : memref<5024xf32, #tpu.memory_space<vmem_shared>>) dst(%arg10 : memref<5024xf32, #tpu.memory_space<vmem>>)
      tpu.yield
    }) : () -> ()
    %scan3A_106 = arith.constant 0 : i32
    %scan3A_107 = arith.constant 0 : i32
    %scan3A_108 = arith.constant 157 : i32
    %scan3A_109 = arith.addi %scan3A_107, %scan3A_108 : i32
    %scan3A_110 = arith.constant 1 : i32
    %scan3A_111 = scf.for %scan3A_186 = %scan3A_107 to %scan3A_109 step %scan3A_110 iter_args(%scan3A_187 = %scan3A_106) -> (i32)  : i32 {
      %mul3A_188 = arith.constant 32 : i32
      %mul3A_189 = arith.muli %scan3A_186, %mul3A_188 : i32
      %add3A_190 = arith.constant 0 : i32
      %add3A_191 = arith.addi %mul3A_189, %add3A_190 : i32
      %get3A = arith.index_cast %add3A_191 : i32 to index
      %get3A_192 = tpu.vector_load %arg9[%get3A] {strides = array<i32>} : memref<5024xf32, #tpu.memory_space<vmem>>, vector<16xf32>,
      %get3A_193 = arith.index_cast %add3A_191 : i32 to index
      %get3A_194 = tpu.vector_load %arg10[%get3A_193] {strides = array<i32>} : memref<5024xf32, #tpu.memory_space<vmem>>, vector<16xf32>,
      %add3A_195 = arith.addf %get3A_192, %get3A_194 : vector<16xf32>
      %swap3A = arith.index_cast %add3A_191 : i32 to index
      %swap3A_196 = tpu.vector_load %arg9[%swap3A] {strides = array<i32>} : memref<5024xf32, #tpu.memory_space<vmem>>, vector<16xf32>,
      tpu.vector_store %arg9[%swap3A], %add3A_195 {strides = array<i32>} : memref<5024xf32, #tpu.memory_space<vmem>>, vector<16xf32>,
      %mul3A_197 = arith.constant 32 : i32
      %mul3A_198 = arith.muli %scan3A_186, %mul3A_197 : i32
      %add3A_199 = arith.constant 16 : i32
      %add3A_200 = arith.addi %mul3A_198, %add3A_199 : i32
      %get3A_201 = arith.index_cast %add3A_200 : i32 to index
      %get3A_202 = tpu.vector_load %arg9[%get3A_201] {strides = array<i32>} : memref<5024xf32, #tpu.memory_space<vmem>>, vector<16xf32>,
      %get3A_203 = arith.index_cast %add3A_200 : i32 to index
      %get3A_204 = tpu.vector_load %arg10[%get3A_203] {strides = array<i32>} : memref<5024xf32, #tpu.memory_space<vmem>>, vector<16xf32>,
      %add3A_205 = arith.addf %get3A_202, %get3A_204 : vector<16xf32>
      %swap3A_206 = arith.index_cast %add3A_200 : i32 to index
      %swap3A_207 = tpu.vector_load %arg9[%swap3A_206] {strides = array<i32>} : memref<5024xf32, #tpu.memory_space<vmem>>, vector<16xf32>,
      tpu.vector_store %arg9[%swap3A_206], %add3A_205 {strides = array<i32>} : memref<5024xf32, #tpu.memory_space<vmem>>, vector<16xf32>,
      %scan3A_208 = arith.constant 0 : i32
      scf.yield %scan3A_208 : i32
    }
    %scan3A_112 = arith.constant 157 : i32
    %add3A_113 = arith.constant 2 : i32
    %add3A_114 = arith.addi %select_n3A_30, %add3A_113 : i32
    %jit3A_115 = arith.constant 4 : i32
    %eq3A_116 = arith.constant 0 : i32
    %eq3A_117 = arith.cmpi eq, %jit3A_115, %eq3A_116 : i32
    %jit3A_118 = arith.constant 1 : i32
    %select_n3A_119 = arith.select %eq3A_117, %jit3A_118, %jit3A_115 : i32
    %rem3A_120 = arith.remsi %add3A_114, %select_n3A_119 : i32
    %ne3A_121 = arith.constant 0 : i32
    %ne3A_122 = arith.cmpi ne, %rem3A_120, %ne3A_121 : i32
    %lt3A_123 = arith.constant 0 : i32
    %lt3A_124 = arith.cmpi slt, %rem3A_120, %lt3A_123 : i32
    %lt3A_125 = arith.constant 0 : i32
    %lt3A_126 = arith.cmpi slt, %select_n3A_119, %lt3A_125 : i32
    %ne3A_127 = arith.xori %lt3A_124, %lt3A_126 : i1
    %and3A_128 = arith.andi %ne3A_127, %ne3A_122 : i1
    %add3A_129 = arith.addi %rem3A_120, %select_n3A_119 : i32
    %select_n3A_130 = arith.select %and3A_128, %add3A_129, %rem3A_120 : i32
    %add3A_131 = arith.addi %sub3A_77, %select_n3A_130 : i32
    %run_scoped3A_132 = arith.constant 0 : i32
    "tpu.region"() ({
      %run_scoped3A_186 = tpu.sem_alloc : memref<!tpu.dma_semaphore, #tpu.memory_space<semaphore_mem>>
      %dma_start3A = arith.constant 0 : i32
      %dma_start3A_187 = tpu.memref_slice %arg12[%add3A_131, %run_scoped3A_132, %dma_start3A] : memref<16x2x5024xf32, #tpu.memory_space<vmem_shared>> -> memref<1x1x5024xf32, #tpu.memory_space<vmem_shared>>
      %dma_start3A_188 = tpu.memref_squeeze %dma_start3A_187 : memref<1x1x5024xf32, #tpu.memory_space<vmem_shared>> -> memref<5024xf32, #tpu.memory_space<vmem_shared>>
      %dma_start3A_189 = arith.constant 0 : i32
      %dma_start3A_190 = tpu.memref_slice %arg12[%add3A_131, %run_scoped3A_132, %dma_start3A_189] : memref<16x2x5024xf32, #tpu.memory_space<vmem_shared>> -> memref<1x1x5024xf32, #tpu.memory_space<vmem_shared>>
      %dma_start3A_191 = tpu.memref_squeeze %dma_start3A_190 : memref<1x1x5024xf32, #tpu.memory_space<vmem_shared>> -> memref<5024xf32, #tpu.memory_space<vmem_shared>>
      tpu.enqueue_dma source(%dma_start3A_191 : memref<5024xf32, #tpu.memory_space<vmem_shared>>) target(%arg10 : memref<5024xf32, #tpu.memory_space<vmem>>) target_semaphore(%run_scoped3A_186 : memref<!tpu.dma_semaphore, #tpu.memory_space<semaphore_mem>>)
      %dma_wait3A = arith.constant 0 : i32
      %dma_wait3A_192 = tpu.memref_slice %arg12[%add3A_131, %run_scoped3A_132, %dma_wait3A] : memref<16x2x5024xf32, #tpu.memory_space<vmem_shared>> -> memref<1x1x5024xf32, #tpu.memory_space<vmem_shared>>
      %dma_wait3A_193 = tpu.memref_squeeze %dma_wait3A_192 : memref<1x1x5024xf32, #tpu.memory_space<vmem_shared>> -> memref<5024xf32, #tpu.memory_space<vmem_shared>>
      %dma_wait3A_194 = arith.constant 0 : i32
      %dma_wait3A_195 = tpu.memref_slice %arg12[%add3A_131, %run_scoped3A_132, %dma_wait3A_194] : memref<16x2x5024xf32, #tpu.memory_space<vmem_shared>> -> memref<1x1x5024xf32, #tpu.memory_space<vmem_shared>>
      %dma_wait3A_196 = tpu.memref_squeeze %dma_wait3A_195 : memref<1x1x5024xf32, #tpu.memory_space<vmem_shared>> -> memref<5024xf32, #tpu.memory_space<vmem_shared>>
      tpu.wait_dma2 semaphore(%run_scoped3A_186 : memref<!tpu.dma_semaphore, #tpu.memory_space<semaphore_mem>>) src(%dma_wait3A_196 : memref<5024xf32, #tpu.memory_space<vmem_shared>>) dst(%arg10 : memref<5024xf32, #tpu.memory_space<vmem>>)
      tpu.yield
    }) : () -> ()
    %scan3A_133 = arith.constant 0 : i32
    %scan3A_134 = arith.constant 0 : i32
    %scan3A_135 = arith.constant 157 : i32
    %scan3A_136 = arith.addi %scan3A_134, %scan3A_135 : i32
    %scan3A_137 = arith.constant 1 : i32
    %scan3A_138 = scf.for %scan3A_186 = %scan3A_134 to %scan3A_136 step %scan3A_137 iter_args(%scan3A_187 = %scan3A_133) -> (i32)  : i32 {
      %mul3A_188 = arith.constant 32 : i32
      %mul3A_189 = arith.muli %scan3A_186, %mul3A_188 : i32
      %add3A_190 = arith.constant 0 : i32
      %add3A_191 = arith.addi %mul3A_189, %add3A_190 : i32
      %get3A = arith.index_cast %add3A_191 : i32 to index
      %get3A_192 = tpu.vector_load %arg8[%get3A] {strides = array<i32>} : memref<5024xf32, #tpu.memory_space<vmem>>, vector<16xf32>,
      %get3A_193 = arith.index_cast %add3A_191 : i32 to index
      %get3A_194 = tpu.vector_load %arg10[%get3A_193] {strides = array<i32>} : memref<5024xf32, #tpu.memory_space<vmem>>, vector<16xf32>,
      %add3A_195 = arith.addf %get3A_192, %get3A_194 : vector<16xf32>
      %swap3A = arith.index_cast %add3A_191 : i32 to index
      %swap3A_196 = tpu.vector_load %arg8[%swap3A] {strides = array<i32>} : memref<5024xf32, #tpu.memory_space<vmem>>, vector<16xf32>,
      tpu.vector_store %arg8[%swap3A], %add3A_195 {strides = array<i32>} : memref<5024xf32, #tpu.memory_space<vmem>>, vector<16xf32>,
      %mul3A_197 = arith.constant 32 : i32
      %mul3A_198 = arith.muli %scan3A_186, %mul3A_197 : i32
      %add3A_199 = arith.constant 16 : i32
      %add3A_200 = arith.addi %mul3A_198, %add3A_199 : i32
      %get3A_201 = arith.index_cast %add3A_200 : i32 to index
      %get3A_202 = tpu.vector_load %arg8[%get3A_201] {strides = array<i32>} : memref<5024xf32, #tpu.memory_space<vmem>>, vector<16xf32>,
      %get3A_203 = arith.index_cast %add3A_200 : i32 to index
      %get3A_204 = tpu.vector_load %arg10[%get3A_203] {strides = array<i32>} : memref<5024xf32, #tpu.memory_space<vmem>>, vector<16xf32>,
      %add3A_205 = arith.addf %get3A_202, %get3A_204 : vector<16xf32>
      %swap3A_206 = arith.index_cast %add3A_200 : i32 to index
      %swap3A_207 = tpu.vector_load %arg8[%swap3A_206] {strides = array<i32>} : memref<5024xf32, #tpu.memory_space<vmem>>, vector<16xf32>,
      tpu.vector_store %arg8[%swap3A_206], %add3A_205 {strides = array<i32>} : memref<5024xf32, #tpu.memory_space<vmem>>, vector<16xf32>,
      %scan3A_208 = arith.constant 0 : i32
      scf.yield %scan3A_208 : i32
    }
    %scan3A_139 = arith.constant 157 : i32
    %run_scoped3A_140 = arith.constant 1 : i32
    "tpu.region"() ({
      %run_scoped3A_186 = tpu.sem_alloc : memref<!tpu.dma_semaphore, #tpu.memory_space<semaphore_mem>>
      %dma_start3A = arith.constant 0 : i32
      %dma_start3A_187 = tpu.memref_slice %arg12[%add3A_131, %run_scoped3A_140, %dma_start3A] : memref<16x2x5024xf32, #tpu.memory_space<vmem_shared>> -> memref<1x1x5024xf32, #tpu.memory_space<vmem_shared>>
      %dma_start3A_188 = tpu.memref_squeeze %dma_start3A_187 : memref<1x1x5024xf32, #tpu.memory_space<vmem_shared>> -> memref<5024xf32, #tpu.memory_space<vmem_shared>>
      %dma_start3A_189 = arith.constant 0 : i32
      %dma_start3A_190 = tpu.memref_slice %arg12[%add3A_131, %run_scoped3A_140, %dma_start3A_189] : memref<16x2x5024xf32, #tpu.memory_space<vmem_shared>> -> memref<1x1x5024xf32, #tpu.memory_space<vmem_shared>>
      %dma_start3A_191 = tpu.memref_squeeze %dma_start3A_190 : memref<1x1x5024xf32, #tpu.memory_space<vmem_shared>> -> memref<5024xf32, #tpu.memory_space<vmem_shared>>
      tpu.enqueue_dma source(%dma_start3A_191 : memref<5024xf32, #tpu.memory_space<vmem_shared>>) target(%arg10 : memref<5024xf32, #tpu.memory_space<vmem>>) target_semaphore(%run_scoped3A_186 : memref<!tpu.dma_semaphore, #tpu.memory_space<semaphore_mem>>)
      %dma_wait3A = arith.constant 0 : i32
      %dma_wait3A_192 = tpu.memref_slice %arg12[%add3A_131, %run_scoped3A_140, %dma_wait3A] : memref<16x2x5024xf32, #tpu.memory_space<vmem_shared>> -> memref<1x1x5024xf32, #tpu.memory_space<vmem_shared>>
      %dma_wait3A_193 = tpu.memref_squeeze %dma_wait3A_192 : memref<1x1x5024xf32, #tpu.memory_space<vmem_shared>> -> memref<5024xf32, #tpu.memory_space<vmem_shared>>
      %dma_wait3A_194 = arith.constant 0 : i32
      %dma_wait3A_195 = tpu.memref_slice %arg12[%add3A_131, %run_scoped3A_140, %dma_wait3A_194] : memref<16x2x5024xf32, #tpu.memory_space<vmem_shared>> -> memref<1x1x5024xf32, #tpu.memory_space<vmem_shared>>
      %dma_wait3A_196 = tpu.memref_squeeze %dma_wait3A_195 : memref<1x1x5024xf32, #tpu.memory_space<vmem_shared>> -> memref<5024xf32, #tpu.memory_space<vmem_shared>>
      tpu.wait_dma2 semaphore(%run_scoped3A_186 : memref<!tpu.dma_semaphore, #tpu.memory_space<semaphore_mem>>) src(%dma_wait3A_196 : memref<5024xf32, #tpu.memory_space<vmem_shared>>) dst(%arg10 : memref<5024xf32, #tpu.memory_space<vmem>>)
      tpu.yield
    }) : () -> ()
    %scan3A_141 = arith.constant 0 : i32
    %scan3A_142 = arith.constant 0 : i32
    %scan3A_143 = arith.constant 157 : i32
    %scan3A_144 = arith.addi %scan3A_142, %scan3A_143 : i32
    %scan3A_145 = arith.constant 1 : i32
    %scan3A_146 = scf.for %scan3A_186 = %scan3A_142 to %scan3A_144 step %scan3A_145 iter_args(%scan3A_187 = %scan3A_141) -> (i32)  : i32 {
      %mul3A_188 = arith.constant 32 : i32
      %mul3A_189 = arith.muli %scan3A_186, %mul3A_188 : i32
      %add3A_190 = arith.constant 0 : i32
      %add3A_191 = arith.addi %mul3A_189, %add3A_190 : i32
      %get3A = arith.index_cast %add3A_191 : i32 to index
      %get3A_192 = tpu.vector_load %arg9[%get3A] {strides = array<i32>} : memref<5024xf32, #tpu.memory_space<vmem>>, vector<16xf32>,
      %get3A_193 = arith.index_cast %add3A_191 : i32 to index
      %get3A_194 = tpu.vector_load %arg10[%get3A_193] {strides = array<i32>} : memref<5024xf32, #tpu.memory_space<vmem>>, vector<16xf32>,
      %add3A_195 = arith.addf %get3A_192, %get3A_194 : vector<16xf32>
      %swap3A = arith.index_cast %add3A_191 : i32 to index
      %swap3A_196 = tpu.vector_load %arg9[%swap3A] {strides = array<i32>} : memref<5024xf32, #tpu.memory_space<vmem>>, vector<16xf32>,
      tpu.vector_store %arg9[%swap3A], %add3A_195 {strides = array<i32>} : memref<5024xf32, #tpu.memory_space<vmem>>, vector<16xf32>,
      %mul3A_197 = arith.constant 32 : i32
      %mul3A_198 = arith.muli %scan3A_186, %mul3A_197 : i32
      %add3A_199 = arith.constant 16 : i32
      %add3A_200 = arith.addi %mul3A_198, %add3A_199 : i32
      %get3A_201 = arith.index_cast %add3A_200 : i32 to index
      %get3A_202 = tpu.vector_load %arg9[%get3A_201] {strides = array<i32>} : memref<5024xf32, #tpu.memory_space<vmem>>, vector<16xf32>,
      %get3A_203 = arith.index_cast %add3A_200 : i32 to index
      %get3A_204 = tpu.vector_load %arg10[%get3A_203] {strides = array<i32>} : memref<5024xf32, #tpu.memory_space<vmem>>, vector<16xf32>,
      %add3A_205 = arith.addf %get3A_202, %get3A_204 : vector<16xf32>
      %swap3A_206 = arith.index_cast %add3A_200 : i32 to index
      %swap3A_207 = tpu.vector_load %arg9[%swap3A_206] {strides = array<i32>} : memref<5024xf32, #tpu.memory_space<vmem>>, vector<16xf32>,
      tpu.vector_store %arg9[%swap3A_206], %add3A_205 {strides = array<i32>} : memref<5024xf32, #tpu.memory_space<vmem>>, vector<16xf32>,
      %scan3A_208 = arith.constant 0 : i32
      scf.yield %scan3A_208 : i32
    }
    %scan3A_147 = arith.constant 157 : i32
    %add3A_148 = arith.constant 3 : i32
    %add3A_149 = arith.addi %select_n3A_30, %add3A_148 : i32
    %jit3A_150 = arith.constant 4 : i32
    %eq3A_151 = arith.constant 0 : i32
    %eq3A_152 = arith.cmpi eq, %jit3A_150, %eq3A_151 : i32
    %jit3A_153 = arith.constant 1 : i32
    %select_n3A_154 = arith.select %eq3A_152, %jit3A_153, %jit3A_150 : i32
    %rem3A_155 = arith.remsi %add3A_149, %select_n3A_154 : i32
    %ne3A_156 = arith.constant 0 : i32
    %ne3A_157 = arith.cmpi ne, %rem3A_155, %ne3A_156 : i32
    %lt3A_158 = arith.constant 0 : i32
    %lt3A_159 = arith.cmpi slt, %rem3A_155, %lt3A_158 : i32
    %lt3A_160 = arith.constant 0 : i32
    %lt3A_161 = arith.cmpi slt, %select_n3A_154, %lt3A_160 : i32
    %ne3A_162 = arith.xori %lt3A_159, %lt3A_161 : i1
    %and3A_163 = arith.andi %ne3A_162, %ne3A_157 : i1
    %add3A_164 = arith.addi %rem3A_155, %select_n3A_154 : i32
    %select_n3A_165 = arith.select %and3A_163, %add3A_164, %rem3A_155 : i32
    %add3A_166 = arith.addi %sub3A_77, %select_n3A_165 : i32
    %run_scoped3A_167 = arith.constant 0 : i32
    "tpu.region"() ({
      %run_scoped3A_186 = tpu.sem_alloc : memref<!tpu.dma_semaphore, #tpu.memory_space<semaphore_mem>>
      %dma_start3A = arith.constant 0 : i32
      %dma_start3A_187 = tpu.memref_slice %arg12[%add3A_166, %run_scoped3A_167, %dma_start3A] : memref<16x2x5024xf32, #tpu.memory_space<vmem_shared>> -> memref<1x1x5024xf32, #tpu.memory_space<vmem_shared>>
      %dma_start3A_188 = tpu.memref_squeeze %dma_start3A_187 : memref<1x1x5024xf32, #tpu.memory_space<vmem_shared>> -> memref<5024xf32, #tpu.memory_space<vmem_shared>>
      %dma_start3A_189 = arith.constant 0 : i32
      %dma_start3A_190 = tpu.memref_slice %arg12[%add3A_166, %run_scoped3A_167, %dma_start3A_189] : memref<16x2x5024xf32, #tpu.memory_space<vmem_shared>> -> memref<1x1x5024xf32, #tpu.memory_space<vmem_shared>>
      %dma_start3A_191 = tpu.memref_squeeze %dma_start3A_190 : memref<1x1x5024xf32, #tpu.memory_space<vmem_shared>> -> memref<5024xf32, #tpu.memory_space<vmem_shared>>
      tpu.enqueue_dma source(%dma_start3A_191 : memref<5024xf32, #tpu.memory_space<vmem_shared>>) target(%arg10 : memref<5024xf32, #tpu.memory_space<vmem>>) target_semaphore(%run_scoped3A_186 : memref<!tpu.dma_semaphore, #tpu.memory_space<semaphore_mem>>)
      %dma_wait3A = arith.constant 0 : i32
      %dma_wait3A_192 = tpu.memref_slice %arg12[%add3A_166, %run_scoped3A_167, %dma_wait3A] : memref<16x2x5024xf32, #tpu.memory_space<vmem_shared>> -> memref<1x1x5024xf32, #tpu.memory_space<vmem_shared>>
      %dma_wait3A_193 = tpu.memref_squeeze %dma_wait3A_192 : memref<1x1x5024xf32, #tpu.memory_space<vmem_shared>> -> memref<5024xf32, #tpu.memory_space<vmem_shared>>
      %dma_wait3A_194 = arith.constant 0 : i32
      %dma_wait3A_195 = tpu.memref_slice %arg12[%add3A_166, %run_scoped3A_167, %dma_wait3A_194] : memref<16x2x5024xf32, #tpu.memory_space<vmem_shared>> -> memref<1x1x5024xf32, #tpu.memory_space<vmem_shared>>
      %dma_wait3A_196 = tpu.memref_squeeze %dma_wait3A_195 : memref<1x1x5024xf32, #tpu.memory_space<vmem_shared>> -> memref<5024xf32, #tpu.memory_space<vmem_shared>>
      tpu.wait_dma2 semaphore(%run_scoped3A_186 : memref<!tpu.dma_semaphore, #tpu.memory_space<semaphore_mem>>) src(%dma_wait3A_196 : memref<5024xf32, #tpu.memory_space<vmem_shared>>) dst(%arg10 : memref<5024xf32, #tpu.memory_space<vmem>>)
      tpu.yield
    }) : () -> ()
    %scan3A_168 = arith.constant 0 : i32
    %scan3A_169 = arith.constant 0 : i32
    %scan3A_170 = arith.constant 157 : i32
    %scan3A_171 = arith.addi %scan3A_169, %scan3A_170 : i32
    %scan3A_172 = arith.constant 1 : i32
    %scan3A_173 = scf.for %scan3A_186 = %scan3A_169 to %scan3A_171 step %scan3A_172 iter_args(%scan3A_187 = %scan3A_168) -> (i32)  : i32 {
      %mul3A_188 = arith.constant 32 : i32
      %mul3A_189 = arith.muli %scan3A_186, %mul3A_188 : i32
      %add3A_190 = arith.constant 0 : i32
      %add3A_191 = arith.addi %mul3A_189, %add3A_190 : i32
      %get3A = arith.index_cast %add3A_191 : i32 to index
      %get3A_192 = tpu.vector_load %arg8[%get3A] {strides = array<i32>} : memref<5024xf32, #tpu.memory_space<vmem>>, vector<16xf32>,
      %get3A_193 = arith.index_cast %add3A_191 : i32 to index
      %get3A_194 = tpu.vector_load %arg10[%get3A_193] {strides = array<i32>} : memref<5024xf32, #tpu.memory_space<vmem>>, vector<16xf32>,
      %add3A_195 = arith.addf %get3A_192, %get3A_194 : vector<16xf32>
      %swap3A = arith.index_cast %add3A_191 : i32 to index
      %swap3A_196 = tpu.vector_load %arg8[%swap3A] {strides = array<i32>} : memref<5024xf32, #tpu.memory_space<vmem>>, vector<16xf32>,
      tpu.vector_store %arg8[%swap3A], %add3A_195 {strides = array<i32>} : memref<5024xf32, #tpu.memory_space<vmem>>, vector<16xf32>,
      %mul3A_197 = arith.constant 32 : i32
      %mul3A_198 = arith.muli %scan3A_186, %mul3A_197 : i32
      %add3A_199 = arith.constant 16 : i32
      %add3A_200 = arith.addi %mul3A_198, %add3A_199 : i32
      %get3A_201 = arith.index_cast %add3A_200 : i32 to index
      %get3A_202 = tpu.vector_load %arg8[%get3A_201] {strides = array<i32>} : memref<5024xf32, #tpu.memory_space<vmem>>, vector<16xf32>,
      %get3A_203 = arith.index_cast %add3A_200 : i32 to index
      %get3A_204 = tpu.vector_load %arg10[%get3A_203] {strides = array<i32>} : memref<5024xf32, #tpu.memory_space<vmem>>, vector<16xf32>,
      %add3A_205 = arith.addf %get3A_202, %get3A_204 : vector<16xf32>
      %swap3A_206 = arith.index_cast %add3A_200 : i32 to index
      %swap3A_207 = tpu.vector_load %arg8[%swap3A_206] {strides = array<i32>} : memref<5024xf32, #tpu.memory_space<vmem>>, vector<16xf32>,
      tpu.vector_store %arg8[%swap3A_206], %add3A_205 {strides = array<i32>} : memref<5024xf32, #tpu.memory_space<vmem>>, vector<16xf32>,
      %scan3A_208 = arith.constant 0 : i32
      scf.yield %scan3A_208 : i32
    }
    %scan3A_174 = arith.constant 157 : i32
    %run_scoped3A_175 = arith.constant 1 : i32
    "tpu.region"() ({
      %run_scoped3A_186 = tpu.sem_alloc : memref<!tpu.dma_semaphore, #tpu.memory_space<semaphore_mem>>
      %dma_start3A = arith.constant 0 : i32
      %dma_start3A_187 = tpu.memref_slice %arg12[%add3A_166, %run_scoped3A_175, %dma_start3A] : memref<16x2x5024xf32, #tpu.memory_space<vmem_shared>> -> memref<1x1x5024xf32, #tpu.memory_space<vmem_shared>>
      %dma_start3A_188 = tpu.memref_squeeze %dma_start3A_187 : memref<1x1x5024xf32, #tpu.memory_space<vmem_shared>> -> memref<5024xf32, #tpu.memory_space<vmem_shared>>
      %dma_start3A_189 = arith.constant 0 : i32
      %dma_start3A_190 = tpu.memref_slice %arg12[%add3A_166, %run_scoped3A_175, %dma_start3A_189] : memref<16x2x5024xf32, #tpu.memory_space<vmem_shared>> -> memref<1x1x5024xf32, #tpu.memory_space<vmem_shared>>
      %dma_start3A_191 = tpu.memref_squeeze %dma_start3A_190 : memref<1x1x5024xf32, #tpu.memory_space<vmem_shared>> -> memref<5024xf32, #tpu.memory_space<vmem_shared>>
      tpu.enqueue_dma source(%dma_start3A_191 : memref<5024xf32, #tpu.memory_space<vmem_shared>>) target(%arg10 : memref<5024xf32, #tpu.memory_space<vmem>>) target_semaphore(%run_scoped3A_186 : memref<!tpu.dma_semaphore, #tpu.memory_space<semaphore_mem>>)
      %dma_wait3A = arith.constant 0 : i32
      %dma_wait3A_192 = tpu.memref_slice %arg12[%add3A_166, %run_scoped3A_175, %dma_wait3A] : memref<16x2x5024xf32, #tpu.memory_space<vmem_shared>> -> memref<1x1x5024xf32, #tpu.memory_space<vmem_shared>>
      %dma_wait3A_193 = tpu.memref_squeeze %dma_wait3A_192 : memref<1x1x5024xf32, #tpu.memory_space<vmem_shared>> -> memref<5024xf32, #tpu.memory_space<vmem_shared>>
      %dma_wait3A_194 = arith.constant 0 : i32
      %dma_wait3A_195 = tpu.memref_slice %arg12[%add3A_166, %run_scoped3A_175, %dma_wait3A_194] : memref<16x2x5024xf32, #tpu.memory_space<vmem_shared>> -> memref<1x1x5024xf32, #tpu.memory_space<vmem_shared>>
      %dma_wait3A_196 = tpu.memref_squeeze %dma_wait3A_195 : memref<1x1x5024xf32, #tpu.memory_space<vmem_shared>> -> memref<5024xf32, #tpu.memory_space<vmem_shared>>
      tpu.wait_dma2 semaphore(%run_scoped3A_186 : memref<!tpu.dma_semaphore, #tpu.memory_space<semaphore_mem>>) src(%dma_wait3A_196 : memref<5024xf32, #tpu.memory_space<vmem_shared>>) dst(%arg10 : memref<5024xf32, #tpu.memory_space<vmem>>)
      tpu.yield
    }) : () -> ()
    %scan3A_176 = arith.constant 0 : i32
    %scan3A_177 = arith.constant 0 : i32
    %scan3A_178 = arith.constant 157 : i32
    %scan3A_179 = arith.addi %scan3A_177, %scan3A_178 : i32
    %scan3A_180 = arith.constant 1 : i32
    %scan3A_181 = scf.for %scan3A_186 = %scan3A_177 to %scan3A_179 step %scan3A_180 iter_args(%scan3A_187 = %scan3A_176) -> (i32)  : i32 {
      %mul3A_188 = arith.constant 32 : i32
      %mul3A_189 = arith.muli %scan3A_186, %mul3A_188 : i32
      %add3A_190 = arith.constant 0 : i32
      %add3A_191 = arith.addi %mul3A_189, %add3A_190 : i32
      %get3A = arith.index_cast %add3A_191 : i32 to index
      %get3A_192 = tpu.vector_load %arg9[%get3A] {strides = array<i32>} : memref<5024xf32, #tpu.memory_space<vmem>>, vector<16xf32>,
      %get3A_193 = arith.index_cast %add3A_191 : i32 to index
      %get3A_194 = tpu.vector_load %arg10[%get3A_193] {strides = array<i32>} : memref<5024xf32, #tpu.memory_space<vmem>>, vector<16xf32>,
      %add3A_195 = arith.addf %get3A_192, %get3A_194 : vector<16xf32>
      %swap3A = arith.index_cast %add3A_191 : i32 to index
      %swap3A_196 = tpu.vector_load %arg9[%swap3A] {strides = array<i32>} : memref<5024xf32, #tpu.memory_space<vmem>>, vector<16xf32>,
      tpu.vector_store %arg9[%swap3A], %add3A_195 {strides = array<i32>} : memref<5024xf32, #tpu.memory_space<vmem>>, vector<16xf32>,
      %mul3A_197 = arith.constant 32 : i32
      %mul3A_198 = arith.muli %scan3A_186, %mul3A_197 : i32
      %add3A_199 = arith.constant 16 : i32
      %add3A_200 = arith.addi %mul3A_198, %add3A_199 : i32
      %get3A_201 = arith.index_cast %add3A_200 : i32 to index
      %get3A_202 = tpu.vector_load %arg9[%get3A_201] {strides = array<i32>} : memref<5024xf32, #tpu.memory_space<vmem>>, vector<16xf32>,
      %get3A_203 = arith.index_cast %add3A_200 : i32 to index
      %get3A_204 = tpu.vector_load %arg10[%get3A_203] {strides = array<i32>} : memref<5024xf32, #tpu.memory_space<vmem>>, vector<16xf32>,
      %add3A_205 = arith.addf %get3A_202, %get3A_204 : vector<16xf32>
      %swap3A_206 = arith.index_cast %add3A_200 : i32 to index
      %swap3A_207 = tpu.vector_load %arg9[%swap3A_206] {strides = array<i32>} : memref<5024xf32, #tpu.memory_space<vmem>>, vector<16xf32>,
      tpu.vector_store %arg9[%swap3A_206], %add3A_205 {strides = array<i32>} : memref<5024xf32, #tpu.memory_space<vmem>>, vector<16xf32>,
      %scan3A_208 = arith.constant 0 : i32
      scf.yield %scan3A_208 : i32
    }
    %scan3A_182 = arith.constant 157 : i32
    %eq3A_183 = arith.constant 0 : i32
    %eq3A_184 = arith.cmpi eq, %select_n3A_30, %eq3A_183 : i32
    %convert_element_type3A = arith.extui %eq3A_184 : i1 to i32
    %cond3A = arith.constant 0 : i32
    %cond3A_185 = arith.cmpi ne, %convert_element_type3A, %cond3A : i32
    scf.if %cond3A_185 {
      %scan3A_186 = arith.constant 0 : i32
      %scan3A_187 = arith.constant 157 : i32
      %scan3A_188 = arith.addi %scan3A_186, %scan3A_187 : i32
      %scan3A_189 = arith.constant 1 : i32
      %scan3A_190:2 = scf.for %scan3A_205 = %scan3A_186 to %scan3A_188 step %scan3A_189 iter_args(%scan3A_206 = %broadcast_in_dim3A_36, %scan3A_207 = %broadcast_in_dim3A_36) -> (vector<16xf32>, vector<16xf32>)  : i32 {
        %mul3A_208 = arith.constant 32 : i32
        %mul3A_209 = arith.muli %scan3A_205, %mul3A_208 : i32
        %add3A_210 = arith.constant 0 : i32
        %add3A_211 = arith.addi %mul3A_209, %add3A_210 : i32
        %get3A = arith.index_cast %add3A_211 : i32 to index
        %get3A_212 = tpu.vector_load %arg8[%get3A] {strides = array<i32>} : memref<5024xf32, #tpu.memory_space<vmem>>, vector<16xf32>,
        %get3A_213 = arith.index_cast %add3A_211 : i32 to index
        %get3A_214 = tpu.vector_load %arg9[%get3A_213] {strides = array<i32>} : memref<5024xf32, #tpu.memory_space<vmem>>, vector<16xf32>,
        %gt3A = arith.constant 0.000000e+00 : f32
        %gt3A_215 = vector.broadcast %gt3A : f32 to vector<16xf32>
        %gt3A_216 = arith.cmpf ogt, %get3A_212, %gt3A_215 : vector<16xf32>
        %jit3A_217 = arith.constant 1.000000e+00 : f32
        %jit3A_218 = arith.constant 0.000000e+00 : f32
        %broadcast_in_dim3A_219 = vector.broadcast %jit3A_217 : f32 to vector<16xf32>
        %broadcast_in_dim3A_220 = vector.broadcast %jit3A_218 : f32 to vector<16xf32>
        %select_n3A_221 = arith.select %gt3A_216, %broadcast_in_dim3A_219, %broadcast_in_dim3A_220 : vector<16xi1>, vector<16xf32>
        %add3A_222 = arith.addf %scan3A_206, %select_n3A_221 : vector<16xf32>
        %max3A = arith.constant 1.000000e+00 : f32
        %max3A_223 = vector.broadcast %max3A : f32 to vector<16xf32>
        %max3A_224 = arith.maximumf %get3A_212, %max3A_223 : vector<16xf32>
        %div3A_225 = arith.divf %get3A_214, %max3A_224 : vector<16xf32>
        %add3A_226 = arith.addf %scan3A_207, %div3A_225 : vector<16xf32>
        %mul3A_227 = arith.constant 32 : i32
        %mul3A_228 = arith.muli %scan3A_205, %mul3A_227 : i32
        %add3A_229 = arith.constant 16 : i32
        %add3A_230 = arith.addi %mul3A_228, %add3A_229 : i32
        %get3A_231 = arith.index_cast %add3A_230 : i32 to index
        %get3A_232 = tpu.vector_load %arg8[%get3A_231] {strides = array<i32>} : memref<5024xf32, #tpu.memory_space<vmem>>, vector<16xf32>,
        %get3A_233 = arith.index_cast %add3A_230 : i32 to index
        %get3A_234 = tpu.vector_load %arg9[%get3A_233] {strides = array<i32>} : memref<5024xf32, #tpu.memory_space<vmem>>, vector<16xf32>,
        %gt3A_235 = arith.constant 0.000000e+00 : f32
        %gt3A_236 = vector.broadcast %gt3A_235 : f32 to vector<16xf32>
        %gt3A_237 = arith.cmpf ogt, %get3A_232, %gt3A_236 : vector<16xf32>
        %jit3A_238 = arith.constant 1.000000e+00 : f32
        %jit3A_239 = arith.constant 0.000000e+00 : f32
        %broadcast_in_dim3A_240 = vector.broadcast %jit3A_238 : f32 to vector<16xf32>
        %broadcast_in_dim3A_241 = vector.broadcast %jit3A_239 : f32 to vector<16xf32>
        %select_n3A_242 = arith.select %gt3A_237, %broadcast_in_dim3A_240, %broadcast_in_dim3A_241 : vector<16xi1>, vector<16xf32>
        %add3A_243 = arith.addf %add3A_222, %select_n3A_242 : vector<16xf32>
        %max3A_244 = arith.constant 1.000000e+00 : f32
        %max3A_245 = vector.broadcast %max3A_244 : f32 to vector<16xf32>
        %max3A_246 = arith.maximumf %get3A_232, %max3A_245 : vector<16xf32>
        %div3A_247 = arith.divf %get3A_234, %max3A_246 : vector<16xf32>
        %add3A_248 = arith.addf %add3A_226, %div3A_247 : vector<16xf32>
        scf.yield %add3A_243, %add3A_248 : vector<16xf32>, vector<16xf32>
      }
      %scan3A_191 = arith.constant 157 : i32
      %reduce_sum3A = arith.constant true
      %reduce_sum3A_192 = vector.broadcast %reduce_sum3A : i1 to vector<16xi1>
      %reduce_sum3A_193 = tpu.scan <sum>, %scan3A_190#1 masked %reduce_sum3A_192 : vector<16xf32>, vector<16xi1> -> vector<16xf32>
      %reduce_sum3A_194 = vector.extract %reduce_sum3A_193[15] : f32 from vector<16xf32>
      %add3A_195 = vector.broadcast %reduce_sum3A_194 : f32 to vector<16xf32>
      %add3A_196 = arith.addf %broadcast_in_dim3A_36, %add3A_195 : vector<16xf32>
      %reduce_sum3A_197 = arith.constant true
      %reduce_sum3A_198 = vector.broadcast %reduce_sum3A_197 : i1 to vector<16xi1>
      %reduce_sum3A_199 = tpu.scan <sum>, %scan3A_190#0 masked %reduce_sum3A_198 : vector<16xf32>, vector<16xi1> -> vector<16xf32>
      %reduce_sum3A_200 = vector.extract %reduce_sum3A_199[15] : f32 from vector<16xf32>
      %add3A_201 = vector.broadcast %reduce_sum3A_200 : f32 to vector<16xf32>
      %add3A_202 = arith.addf %broadcast_in_dim3A_36, %add3A_201 : vector<16xf32>
      %div3A_203 = arith.divf %add3A_196, %add3A_202 : vector<16xf32>
      %swap3A = arith.constant 0 : index
      %swap3A_204 = tpu.vector_load %arg11[%swap3A] {strides = array<i32>} : memref<16xf32, #tpu.memory_space<vmem>>, vector<16xf32>,
      tpu.vector_store %arg11[%swap3A], %div3A_203 {strides = array<i32>} : memref<16xf32, #tpu.memory_space<vmem>>, vector<16xf32>,
      "tpu.region"() ({
        %run_scoped3A_205 = tpu.sem_alloc : memref<!tpu.dma_semaphore, #tpu.memory_space<semaphore_mem>>
        %dma_start3A = arith.constant 0 : i32
        %dma_start3A_206 = tpu.memref_slice %arg4[%add3A, %dma_start3A] : memref<8x16xf32, #tpu.memory_space<hbm>> -> memref<1x16xf32, #tpu.memory_space<hbm>>
        %dma_start3A_207 = tpu.memref_squeeze %dma_start3A_206 : memref<1x16xf32, #tpu.memory_space<hbm>> -> memref<16xf32, #tpu.memory_space<hbm>>
        %dma_start3A_208 = arith.constant 0 : i32
        %dma_start3A_209 = tpu.memref_slice %arg4[%add3A, %dma_start3A_208] : memref<8x16xf32, #tpu.memory_space<hbm>> -> memref<1x16xf32, #tpu.memory_space<hbm>>
        %dma_start3A_210 = tpu.memref_squeeze %dma_start3A_209 : memref<1x16xf32, #tpu.memory_space<hbm>> -> memref<16xf32, #tpu.memory_space<hbm>>
        tpu.enqueue_dma source(%arg11 : memref<16xf32, #tpu.memory_space<vmem>>) target(%dma_start3A_210 : memref<16xf32, #tpu.memory_space<hbm>>) target_semaphore(%run_scoped3A_205 : memref<!tpu.dma_semaphore, #tpu.memory_space<semaphore_mem>>)
        %dma_wait3A = arith.constant 0 : i32
        %dma_wait3A_211 = tpu.memref_slice %arg4[%add3A, %dma_wait3A] : memref<8x16xf32, #tpu.memory_space<hbm>> -> memref<1x16xf32, #tpu.memory_space<hbm>>
        %dma_wait3A_212 = tpu.memref_squeeze %dma_wait3A_211 : memref<1x16xf32, #tpu.memory_space<hbm>> -> memref<16xf32, #tpu.memory_space<hbm>>
        %dma_wait3A_213 = arith.constant 0 : i32
        %dma_wait3A_214 = tpu.memref_slice %arg4[%add3A, %dma_wait3A_213] : memref<8x16xf32, #tpu.memory_space<hbm>> -> memref<1x16xf32, #tpu.memory_space<hbm>>
        %dma_wait3A_215 = tpu.memref_squeeze %dma_wait3A_214 : memref<1x16xf32, #tpu.memory_space<hbm>> -> memref<16xf32, #tpu.memory_space<hbm>>
        tpu.wait_dma2 semaphore(%run_scoped3A_205 : memref<!tpu.dma_semaphore, #tpu.memory_space<semaphore_mem>>) src(%arg11 : memref<16xf32, #tpu.memory_space<vmem>>) dst(%dma_wait3A_215 : memref<16xf32, #tpu.memory_space<hbm>>)
        tpu.yield
      }) : () -> ()
    } else {
    }
    return
  }
}

module attributes {stable_mosaic.version = 14 : i64} {
  func.func @_tc_body(%arg0: i32, %arg1: memref<1x96x25088xf32, #tpu.memory_space<vmem>>, %arg2: memref<1x1x25088xi32, #tpu.memory_space<vmem>>, %arg3: memref<1x1x25088xf32, #tpu.memory_space<vmem>>, %arg4: memref<1x1x25088xi32, #tpu.memory_space<vmem>>) attributes {dimension_semantics = [#tpu.dimension_semantics<arbitrary>], iteration_bounds = array<i64: 16>, scalar_prefetch = 0 : i64, scratch_operands = 0 : i64, tpu.core_type = #tpu.core_type<tc>, window_params = [{transform_indices = @transform_0, window_bounds = array<i64: 1, 96, 25088>}, {transform_indices = @transform_1, window_bounds = array<i64: 1, 1, 25088>}, {transform_indices = @transform_2, window_bounds = array<i64: 1, 1, 25088>}, {transform_indices = @transform_3, window_bounds = array<i64: 1, 1, 25088>}]} {
    %get3A = arith.constant 0 : index
    %get3A_0 = arith.constant 0 : index
    %get3A_1 = arith.constant 0 : index
    %get3A_2 = vector.load %arg1[%get3A, %get3A_0, %get3A_1] : memref<1x96x25088xf32, #tpu.memory_space<vmem>>, vector<1x96x25088xf32>
    %get3A_3 = vector.shape_cast %get3A_2 : vector<1x96x25088xf32> to vector<96x25088xf32>
    %get3A_4 = arith.constant 0 : index
    %get3A_5 = arith.constant 0 : index
    %get3A_6 = arith.constant 0 : index
    %get3A_7 = vector.load %arg2[%get3A_4, %get3A_5, %get3A_6] : memref<1x1x25088xi32, #tpu.memory_space<vmem>>, vector<1x1x25088xi32>
    %get3A_8 = vector.shape_cast %get3A_7 : vector<1x1x25088xi32> to vector<1x25088xi32>
    %reduce_max3A = arith.constant dense<0xFF800000> : vector<25088xf32>
    %reduce_max3A_9 = vector.multi_reduction <maximumf>, %get3A_3, %reduce_max3A [0] : vector<96x25088xf32> to vector<25088xf32>
    %broadcast_in_dim3A = vector.shape_cast %reduce_max3A_9 : vector<25088xf32> to vector<1x25088xf32>
    %sub3A = vector.broadcast %broadcast_in_dim3A : vector<1x25088xf32> to vector<96x25088xf32>
    %sub3A_10 = arith.subf %get3A_3, %sub3A : vector<96x25088xf32>
    %exp3A = math.exp %sub3A_10 : vector<96x25088xf32>
    %reduce_sum3A = arith.constant dense<0.000000e+00> : vector<25088xf32>
    %reduce_sum3A_11 = vector.multi_reduction <add>, %exp3A, %reduce_sum3A [0] : vector<96x25088xf32> to vector<25088xf32>
    %broadcast_in_dim3A_12 = vector.shape_cast %reduce_sum3A_11 : vector<25088xf32> to vector<1x25088xf32>
    %iota3A = tpu.iota {dimensions = array<i32: 0>} : vector<96x25088xi32>
    %eq3A = vector.broadcast %get3A_8 : vector<1x25088xi32> to vector<96x25088xi32>
    %eq3A_13 = arith.cmpi eq, %iota3A, %eq3A : vector<96x25088xi32>
    %jit3A = arith.constant 0.000000e+00 : f32
    %broadcast_in_dim3A_14 = vector.broadcast %jit3A : f32 to vector<96x25088xf32>
    %select_n3A = arith.select %eq3A_13, %get3A_3, %broadcast_in_dim3A_14 : vector<96x25088xi1>, vector<96x25088xf32>
    %reduce_sum3A_15 = arith.constant dense<0.000000e+00> : vector<25088xf32>
    %reduce_sum3A_16 = vector.multi_reduction <add>, %select_n3A, %reduce_sum3A_15 [0] : vector<96x25088xf32> to vector<25088xf32>
    %broadcast_in_dim3A_17 = vector.shape_cast %reduce_sum3A_16 : vector<25088xf32> to vector<1x25088xf32>
    %sub3A_18 = arith.subf %broadcast_in_dim3A_17, %broadcast_in_dim3A : vector<1x25088xf32>
    %log3A = math.log %broadcast_in_dim3A_12 : vector<1x25088xf32>
    %sub3A_19 = arith.subf %sub3A_18, %log3A : vector<1x25088xf32>
    %neg3A = arith.constant 0.000000e+00 : f32
    %neg3A_20 = vector.broadcast %neg3A : f32 to vector<1x25088xf32>
    %neg3A_21 = arith.subf %neg3A_20, %sub3A_19 : vector<1x25088xf32>
    %swap3A = arith.constant 0 : index
    %swap3A_22 = arith.constant 0 : index
    %swap3A_23 = arith.constant 0 : index
    %swap3A_24 = vector.load %arg3[%swap3A, %swap3A_22, %swap3A_23] : memref<1x1x25088xf32, #tpu.memory_space<vmem>>, vector<1x1x25088xf32>
    %swap3A_25 = vector.shape_cast %swap3A_24 : vector<1x1x25088xf32> to vector<1x25088xf32>
    %swap3A_26 = vector.shape_cast %neg3A_21 : vector<1x25088xf32> to vector<1x1x25088xf32>
    tpu.vector_store %arg3[%swap3A, %swap3A_22, %swap3A_23], %swap3A_26 {strides = array<i32>} : memref<1x1x25088xf32, #tpu.memory_space<vmem>>, vector<1x1x25088xf32>,
    %exp3A_27 = math.exp %sub3A_19 : vector<1x25088xf32>
    %sub3A_28 = arith.constant 1.000000e+00 : f32
    %sub3A_29 = vector.broadcast %sub3A_28 : f32 to vector<1x25088xf32>
    %sub3A_30 = arith.subf %exp3A_27, %sub3A_29 : vector<1x25088xf32>
    %abs3A = math.absf %sub3A_30 : vector<1x25088xf32>
    %mul3A = arith.constant 5.017000e+03 : f32
    %mul3A_31 = vector.broadcast %mul3A : f32 to vector<1x25088xf32>
    %mul3A_32 = arith.mulf %abs3A, %mul3A_31 : vector<1x25088xf32>
    %floor3A = math.floor %mul3A_32 : vector<1x25088xf32>
    %min3A = arith.constant 5.016000e+03 : f32
    %min3A_33 = vector.broadcast %min3A : f32 to vector<1x25088xf32>
    %min3A_34 = arith.minimumf %floor3A, %min3A_33 : vector<1x25088xf32>
    %convert_element_type3A = arith.fptosi %min3A_34 : vector<1x25088xf32> to vector<1x25088xi32>
    %swap3A_35 = arith.constant 0 : index
    %swap3A_36 = arith.constant 0 : index
    %swap3A_37 = arith.constant 0 : index
    %swap3A_38 = vector.load %arg4[%swap3A_35, %swap3A_36, %swap3A_37] : memref<1x1x25088xi32, #tpu.memory_space<vmem>>, vector<1x1x25088xi32>
    %swap3A_39 = vector.shape_cast %swap3A_38 : vector<1x1x25088xi32> to vector<1x25088xi32>
    %swap3A_40 = vector.shape_cast %convert_element_type3A : vector<1x25088xi32> to vector<1x1x25088xi32>
    tpu.vector_store %arg4[%swap3A_35, %swap3A_36, %swap3A_37], %swap3A_40 {strides = array<i32>} : memref<1x1x25088xi32, #tpu.memory_space<vmem>>, vector<1x1x25088xi32>,
    return
  }
  func.func @transform_0(%arg0: i32) -> (i32, i32, i32) {
    %jit3A = arith.constant 2 : i32
    %div3A = arith.divsi %arg0, %jit3A : i32
    %sign3A = arith.constant 0 : i32
    %sign3A_0 = arith.cmpi sgt, %arg0, %sign3A : i32
    %sign3A_1 = arith.extui %sign3A_0 : i1 to i32
    %sign3A_2 = arith.constant 0 : i32
    %sign3A_3 = arith.cmpi slt, %arg0, %sign3A_2 : i32
    %sign3A_4 = arith.extui %sign3A_3 : i1 to i32
    %sign3A_5 = arith.subi %sign3A_1, %sign3A_4 : i32
    %sign3A_6 = arith.constant 0 : i32
    %sign3A_7 = arith.cmpi sgt, %jit3A, %sign3A_6 : i32
    %sign3A_8 = arith.extui %sign3A_7 : i1 to i32
    %sign3A_9 = arith.constant 0 : i32
    %sign3A_10 = arith.cmpi slt, %jit3A, %sign3A_9 : i32
    %sign3A_11 = arith.extui %sign3A_10 : i1 to i32
    %sign3A_12 = arith.subi %sign3A_8, %sign3A_11 : i32
    %ne3A = arith.cmpi ne, %sign3A_5, %sign3A_12 : i32
    %rem3A = arith.remsi %arg0, %jit3A : i32
    %ne3A_13 = arith.constant 0 : i32
    %ne3A_14 = arith.cmpi ne, %rem3A, %ne3A_13 : i32
    %and3A = arith.andi %ne3A, %ne3A_14 : i1
    %sub3A = arith.constant 1 : i32
    %sub3A_15 = arith.subi %div3A, %sub3A : i32
    %select_n3A = arith.select %and3A, %sub3A_15, %div3A : i32
    %jit3A_16 = arith.constant 2 : i32
    %eq3A = arith.constant 0 : i32
    %eq3A_17 = arith.cmpi eq, %jit3A_16, %eq3A : i32
    %jit3A_18 = arith.constant 1 : i32
    %select_n3A_19 = arith.select %eq3A_17, %jit3A_18, %jit3A_16 : i32
    %rem3A_20 = arith.remsi %arg0, %select_n3A_19 : i32
    %ne3A_21 = arith.constant 0 : i32
    %ne3A_22 = arith.cmpi ne, %rem3A_20, %ne3A_21 : i32
    %lt3A = arith.constant 0 : i32
    %lt3A_23 = arith.cmpi slt, %rem3A_20, %lt3A : i32
    %lt3A_24 = arith.constant 0 : i32
    %lt3A_25 = arith.cmpi slt, %select_n3A_19, %lt3A_24 : i32
    %ne3A_26 = arith.xori %lt3A_23, %lt3A_25 : i1
    %and3A_27 = arith.andi %ne3A_26, %ne3A_22 : i1
    %add3A = arith.addi %rem3A_20, %select_n3A_19 : i32
    %select_n3A_28 = arith.select %and3A_27, %add3A, %rem3A_20 : i32
    %c0_i32 = arith.constant 0 : i32
    %c0_i32_29 = arith.constant 0 : i32
    return %select_n3A, %c0_i32, %select_n3A_28 : i32, i32, i32
  }
  func.func @transform_1(%arg0: i32) -> (i32, i32, i32) {
    %jit3A = arith.constant 2 : i32
    %div3A = arith.divsi %arg0, %jit3A : i32
    %sign3A = arith.constant 0 : i32
    %sign3A_0 = arith.cmpi sgt, %arg0, %sign3A : i32
    %sign3A_1 = arith.extui %sign3A_0 : i1 to i32
    %sign3A_2 = arith.constant 0 : i32
    %sign3A_3 = arith.cmpi slt, %arg0, %sign3A_2 : i32
    %sign3A_4 = arith.extui %sign3A_3 : i1 to i32
    %sign3A_5 = arith.subi %sign3A_1, %sign3A_4 : i32
    %sign3A_6 = arith.constant 0 : i32
    %sign3A_7 = arith.cmpi sgt, %jit3A, %sign3A_6 : i32
    %sign3A_8 = arith.extui %sign3A_7 : i1 to i32
    %sign3A_9 = arith.constant 0 : i32
    %sign3A_10 = arith.cmpi slt, %jit3A, %sign3A_9 : i32
    %sign3A_11 = arith.extui %sign3A_10 : i1 to i32
    %sign3A_12 = arith.subi %sign3A_8, %sign3A_11 : i32
    %ne3A = arith.cmpi ne, %sign3A_5, %sign3A_12 : i32
    %rem3A = arith.remsi %arg0, %jit3A : i32
    %ne3A_13 = arith.constant 0 : i32
    %ne3A_14 = arith.cmpi ne, %rem3A, %ne3A_13 : i32
    %and3A = arith.andi %ne3A, %ne3A_14 : i1
    %sub3A = arith.constant 1 : i32
    %sub3A_15 = arith.subi %div3A, %sub3A : i32
    %select_n3A = arith.select %and3A, %sub3A_15, %div3A : i32
    %jit3A_16 = arith.constant 2 : i32
    %eq3A = arith.constant 0 : i32
    %eq3A_17 = arith.cmpi eq, %jit3A_16, %eq3A : i32
    %jit3A_18 = arith.constant 1 : i32
    %select_n3A_19 = arith.select %eq3A_17, %jit3A_18, %jit3A_16 : i32
    %rem3A_20 = arith.remsi %arg0, %select_n3A_19 : i32
    %ne3A_21 = arith.constant 0 : i32
    %ne3A_22 = arith.cmpi ne, %rem3A_20, %ne3A_21 : i32
    %lt3A = arith.constant 0 : i32
    %lt3A_23 = arith.cmpi slt, %rem3A_20, %lt3A : i32
    %lt3A_24 = arith.constant 0 : i32
    %lt3A_25 = arith.cmpi slt, %select_n3A_19, %lt3A_24 : i32
    %ne3A_26 = arith.xori %lt3A_23, %lt3A_25 : i1
    %and3A_27 = arith.andi %ne3A_26, %ne3A_22 : i1
    %add3A = arith.addi %rem3A_20, %select_n3A_19 : i32
    %select_n3A_28 = arith.select %and3A_27, %add3A, %rem3A_20 : i32
    %c0_i32 = arith.constant 0 : i32
    %c0_i32_29 = arith.constant 0 : i32
    return %select_n3A, %c0_i32, %select_n3A_28 : i32, i32, i32
  }
  func.func @transform_2(%arg0: i32) -> (i32, i32, i32) {
    %jit3A = arith.constant 2 : i32
    %div3A = arith.divsi %arg0, %jit3A : i32
    %sign3A = arith.constant 0 : i32
    %sign3A_0 = arith.cmpi sgt, %arg0, %sign3A : i32
    %sign3A_1 = arith.extui %sign3A_0 : i1 to i32
    %sign3A_2 = arith.constant 0 : i32
    %sign3A_3 = arith.cmpi slt, %arg0, %sign3A_2 : i32
    %sign3A_4 = arith.extui %sign3A_3 : i1 to i32
    %sign3A_5 = arith.subi %sign3A_1, %sign3A_4 : i32
    %sign3A_6 = arith.constant 0 : i32
    %sign3A_7 = arith.cmpi sgt, %jit3A, %sign3A_6 : i32
    %sign3A_8 = arith.extui %sign3A_7 : i1 to i32
    %sign3A_9 = arith.constant 0 : i32
    %sign3A_10 = arith.cmpi slt, %jit3A, %sign3A_9 : i32
    %sign3A_11 = arith.extui %sign3A_10 : i1 to i32
    %sign3A_12 = arith.subi %sign3A_8, %sign3A_11 : i32
    %ne3A = arith.cmpi ne, %sign3A_5, %sign3A_12 : i32
    %rem3A = arith.remsi %arg0, %jit3A : i32
    %ne3A_13 = arith.constant 0 : i32
    %ne3A_14 = arith.cmpi ne, %rem3A, %ne3A_13 : i32
    %and3A = arith.andi %ne3A, %ne3A_14 : i1
    %sub3A = arith.constant 1 : i32
    %sub3A_15 = arith.subi %div3A, %sub3A : i32
    %select_n3A = arith.select %and3A, %sub3A_15, %div3A : i32
    %jit3A_16 = arith.constant 2 : i32
    %eq3A = arith.constant 0 : i32
    %eq3A_17 = arith.cmpi eq, %jit3A_16, %eq3A : i32
    %jit3A_18 = arith.constant 1 : i32
    %select_n3A_19 = arith.select %eq3A_17, %jit3A_18, %jit3A_16 : i32
    %rem3A_20 = arith.remsi %arg0, %select_n3A_19 : i32
    %ne3A_21 = arith.constant 0 : i32
    %ne3A_22 = arith.cmpi ne, %rem3A_20, %ne3A_21 : i32
    %lt3A = arith.constant 0 : i32
    %lt3A_23 = arith.cmpi slt, %rem3A_20, %lt3A : i32
    %lt3A_24 = arith.constant 0 : i32
    %lt3A_25 = arith.cmpi slt, %select_n3A_19, %lt3A_24 : i32
    %ne3A_26 = arith.xori %lt3A_23, %lt3A_25 : i1
    %and3A_27 = arith.andi %ne3A_26, %ne3A_22 : i1
    %add3A = arith.addi %rem3A_20, %select_n3A_19 : i32
    %select_n3A_28 = arith.select %and3A_27, %add3A, %rem3A_20 : i32
    %c0_i32 = arith.constant 0 : i32
    %c0_i32_29 = arith.constant 0 : i32
    return %select_n3A, %c0_i32, %select_n3A_28 : i32, i32, i32
  }
  func.func @transform_3(%arg0: i32) -> (i32, i32, i32) {
    %jit3A = arith.constant 2 : i32
    %div3A = arith.divsi %arg0, %jit3A : i32
    %sign3A = arith.constant 0 : i32
    %sign3A_0 = arith.cmpi sgt, %arg0, %sign3A : i32
    %sign3A_1 = arith.extui %sign3A_0 : i1 to i32
    %sign3A_2 = arith.constant 0 : i32
    %sign3A_3 = arith.cmpi slt, %arg0, %sign3A_2 : i32
    %sign3A_4 = arith.extui %sign3A_3 : i1 to i32
    %sign3A_5 = arith.subi %sign3A_1, %sign3A_4 : i32
    %sign3A_6 = arith.constant 0 : i32
    %sign3A_7 = arith.cmpi sgt, %jit3A, %sign3A_6 : i32
    %sign3A_8 = arith.extui %sign3A_7 : i1 to i32
    %sign3A_9 = arith.constant 0 : i32
    %sign3A_10 = arith.cmpi slt, %jit3A, %sign3A_9 : i32
    %sign3A_11 = arith.extui %sign3A_10 : i1 to i32
    %sign3A_12 = arith.subi %sign3A_8, %sign3A_11 : i32
    %ne3A = arith.cmpi ne, %sign3A_5, %sign3A_12 : i32
    %rem3A = arith.remsi %arg0, %jit3A : i32
    %ne3A_13 = arith.constant 0 : i32
    %ne3A_14 = arith.cmpi ne, %rem3A, %ne3A_13 : i32
    %and3A = arith.andi %ne3A, %ne3A_14 : i1
    %sub3A = arith.constant 1 : i32
    %sub3A_15 = arith.subi %div3A, %sub3A : i32
    %select_n3A = arith.select %and3A, %sub3A_15, %div3A : i32
    %jit3A_16 = arith.constant 2 : i32
    %eq3A = arith.constant 0 : i32
    %eq3A_17 = arith.cmpi eq, %jit3A_16, %eq3A : i32
    %jit3A_18 = arith.constant 1 : i32
    %select_n3A_19 = arith.select %eq3A_17, %jit3A_18, %jit3A_16 : i32
    %rem3A_20 = arith.remsi %arg0, %select_n3A_19 : i32
    %ne3A_21 = arith.constant 0 : i32
    %ne3A_22 = arith.cmpi ne, %rem3A_20, %ne3A_21 : i32
    %lt3A = arith.constant 0 : i32
    %lt3A_23 = arith.cmpi slt, %rem3A_20, %lt3A : i32
    %lt3A_24 = arith.constant 0 : i32
    %lt3A_25 = arith.cmpi slt, %select_n3A_19, %lt3A_24 : i32
    %ne3A_26 = arith.xori %lt3A_23, %lt3A_25 : i1
    %and3A_27 = arith.andi %ne3A_26, %ne3A_22 : i1
    %add3A = arith.addi %rem3A_20, %select_n3A_19 : i32
    %select_n3A_28 = arith.select %and3A_27, %add3A, %rem3A_20 : i32
    %c0_i32 = arith.constant 0 : i32
    %c0_i32_29 = arith.constant 0 : i32
    return %select_n3A, %c0_i32, %select_n3A_28 : i32, i32, i32
  }
}

</mosaic_0001>

<sc_bundles>
// kernel: kernel.4.cloned.1.call-start
scs
__scs_entry_jumppad:
0x0: {  	(pc) =	sbr.rel $0x88, $3  }
0x1: {  	(tag) =	ssettag $0x0;
	lr =	simm.s32 $0x1  }
0x2: {  	[smem:$0x3F9F] =	sst lr;
	_ =	strace $0xD0000000  }
0x3: {  	_ = 	snop  }
0x4: {  	_ = 	snop  }
0x5: {  	_ = 	snop  }
0x6: {  	_ = 	snop  }
0x7: {  	_ = 	snop  }
__scs_overlays_trampoline_lowered:
0x8: {  	[smem:$0x3FAE] =	sst s0  }
0x9: {  	[smem:$0x3FAF] =	sst s1  }
0xa: {  	[smem:$0x3FB0] =	sst s2  }
0xb: {  	[smem:$0x3FB1] =	sst s3  }
0xc: {  	[smem:$0x3FB2] =	sst s4  }
0xd: {  	[smem:$0x3FB3] =	sst s5  }
0xe: {  	[smem:$0x3FB4] =	sst s6  }
0xf: {  	[smem:$0x3FB5] =	sst s7  }
0x10: {  	[smem:$0x3FB6] =	sst s8  }
0x11: {  	[smem:$0x3FB7] =	sst s9;
	s0 =	simm.s32 @!p0 $0x0  }
0x12: {  	s1 =	sld [smem:$0x3F9D];
	s0 =	simm.s32 @p0 $0x1  }
0x13: {  	[smem:$0x3FB8] =	sst s0;
	s0 =	simm.s32 @!p1 $0x0  }
0x14: {  	s2 =	sld [smem:$0x3F9C];
	s0 =	simm.s32 @p1 $0x1  }
0x15: {  	[smem:$0x3FB9] =	sst s0;
	s0 =	simm.s32 @!p2 $0x0  }
0x16: {  	s3 =	sld [smem:$0x3FDB];
	s0 =	simm.s32 @p2 $0x1  }
0x17: {  	s4 =	simm.s32 $0x1BF5;
	[smem:$0x3FBB] =	sst s0  }
0x18: {  	s0 =	sld [smem:$0x3F9E];
	_ =	swait.ge [sflag:s4], $0x0  }
0x19: {  	s7 =	sld [smem:$0x3F9F]  }
0x1a: {  	s8 =	sadd.s32 $0xFFFFE003, lr  }
0x1b: {  	s9 =	sadd.s32 $0xFFFFFEF7, lr;
	s5 =	simm.s32 $0xFFFFFFFF;
	p2 =	slt.u32 s8, $0xFFFFF086  }
0x1c: {  	p1 =	slt.u32 s9, $0xF7A;
	s5 =	simm.s32 @!p2 $0x0  }
0x1d: {  	s5 =	simm.s32 @p1 $0x1;
	p0 =	seq.s32 s7, s2  }
0x1e: {  	s7 =	smul.u32 @!p0 $0xF7A, s2;
	p2 =	seq.s32 @!p0 s5, $0x0  }
0x1f: {  	s9 =	smul.u32 $0xF7A, s1;
	s8 =	simm.s32 @!p0 $0x1BF5;
	p2 =	por !p2, p0  }
0x20: {  	[sflag:s8] =	ssyncset.s32 @!p0 $0xFFFFF086;
	s6 =	sadd.s32 @!p0 s3, s7;
	s7 =	simm.s32 @!p0 $0x108  }
0x21: {  	s3 =	sadd.s32 s3, s9;
	s6 =	sadd.s32 @!p0 $0x88, s6;
	s7 =	simm.s32 @p2 $0x1082  }
0x22: {  	[simem:s7], [sflag:s8] =	dma.local @!p0 [hbm:s6], $0xF7A  }
0x23: {  	s9 =	sor.u32 $0xD0000000, s2;
	s6 =	simm.s32 $0x108;
	_ =	swait.ge @!p0 [sflag:s8], $0x0  }
0x24: {  	s3 =	sadd.s32 $0x88, s3;
	s6 =	simm.s32 @!p1 $0x1082;
	[sflag:s4] =	ssyncset.s32 $0xFFFFF086  }
0x25: {  	[simem:s6], [sflag:s4] =	dma.local [hbm:s3], $0xF7A  }
0x26: {  	[smem:$0x3F9F] =	sst s1;
	(tag) =	ssettag s2;
	_ =	strace s9  }
0x27: {  	s1 =	sld [smem:$0x3FAF]  }
0x28: {  	s2 =	sld [smem:$0x3FB0]  }
0x29: {  	s4 =	sld [smem:$0x3FB2]  }
0x2a: {  	p0 =	seq.s32 s5, $0x0;
	s5 =	sld [smem:$0x3FB3]  }
0x2b: {  	s6 =	sld [smem:$0x3FB4]  }
0x2c: {  	s7 =	sld [smem:$0x3FB5]  }
0x2d: {  	s3 =	simm.s32 $0x108;
	s8 =	sld [smem:$0x3FB6]  }
0x2e: {  	s3 =	simm.s32 @!p0 $0x1082;
	s9 =	sld [smem:$0x3FB7]  }
0x2f: {  	lr =	sadd.s32 s0, s3;
	s0 =	sld [smem:$0x3FAE]  }
0x30: {  	s3 =	sld [smem:$0x3FB1]  }
0x31: {  	[smem:$0x3FBA] =	sst s10  }
0x32: {  	s10 =	sld [smem:$0x3FB8];
	_ =	sdelay $0x3  }
0x33: {  	p0 =	seq.s32 s10, $0x1;
	s10 =	sld [smem:$0x3FBA];
	_ =	sdelay $0x3  }
0x34: {  	[smem:$0x3FBA] =	sst s10  }
0x35: {  	s10 =	sld [smem:$0x3FB9];
	_ =	sdelay $0x3  }
0x36: {  	p1 =	seq.s32 s10, $0x1;
	s10 =	sld [smem:$0x3FBA];
	_ =	sdelay $0x3  }
0x37: {  	[smem:$0x3FBA] =	sst s10  }
0x38: {  	s10 =	sld [smem:$0x3FBB]  }
0x39: {  	_ = 	snop;
	(pc) =	sbr.ind lr, $3  }
0x3a: {  	_ = 	snop  }
0x3b: {  	_ = 	snop  }
0x3c: {  	p2 =	seq.s32 s10, $0x1;
	s10 =	sld [smem:$0x3FBA]  }
0x3d: {  	_ =	shalt  }
0x3e: {  	_ =	shalt  }
0x3f: {  	_ =	shalt  }
0x40: {  	_ =	shalt  }
0x41: {  	_ =	shalt  }
0x42: {  	_ =	shalt  }
0x43: {  	_ =	shalt  }
0x44: {  	_ =	shalt  }
0x45: {  	_ =	shalt  }
0x46: {  	_ =	shalt  }
0x47: {  	_ =	shalt  }
0x48: {  	_ =	shalt  }
0x49: {  	_ =	shalt  }
0x4a: {  	_ =	shalt  }
0x4b: {  	_ =	shalt  }
0x4c: {  	_ =	shalt  }
0x4d: {  	_ =	shalt  }
0x4e: {  	_ =	shalt  }
0x4f: {  	_ =	shalt  }
0x50: {  	_ =	shalt  }
0x51: {  	_ =	shalt  }
0x52: {  	_ =	shalt  }
0x53: {  	_ =	shalt  }
0x54: {  	_ =	shalt  }
0x55: {  	_ =	shalt  }
0x56: {  	_ =	shalt  }
0x57: {  	_ =	shalt  }
0x58: {  	_ =	shalt  }
0x59: {  	_ =	shalt  }
0x5a: {  	_ =	shalt  }
0x5b: {  	_ =	shalt  }
0x5c: {  	_ =	shalt  }
0x5d: {  	_ =	shalt  }
0x5e: {  	_ =	shalt  }
0x5f: {  	_ =	shalt  }
0x60: {  	_ =	shalt  }
0x61: {  	_ =	shalt  }
0x62: {  	_ =	shalt  }
0x63: {  	_ =	shalt  }
0x64: {  	_ =	shalt  }
0x65: {  	_ =	shalt  }
0x66: {  	_ =	shalt  }
0x67: {  	_ =	shalt  }
0x68: {  	_ =	shalt  }
0x69: {  	_ =	shalt  }
0x6a: {  	_ =	shalt  }
0x6b: {  	_ =	shalt  }
0x6c: {  	_ =	shalt  }
0x6d: {  	_ =	shalt  }
0x6e: {  	_ =	shalt  }
0x6f: {  	_ =	shalt  }
0x70: {  	_ =	shalt  }
0x71: {  	_ =	shalt  }
0x72: {  	_ =	shalt  }
0x73: {  	_ =	shalt  }
0x74: {  	_ =	shalt  }
0x75: {  	_ =	shalt  }
0x76: {  	_ =	shalt  }
0x77: {  	_ =	shalt  }
0x78: {  	_ =	shalt  }
0x79: {  	_ =	shalt  }
0x7a: {  	_ =	shalt  }
0x7b: {  	_ =	shalt  }
0x7c: {  	_ =	shalt  }
0x7d: {  	_ =	shalt  }
0x7e: {  	_ =	shalt  }
0x7f: {  	_ =	shalt  }
0x80: {  	_ =	shalt  }
0x81: {  	_ =	shalt  }
0x82: {  	_ =	shalt  }
0x83: {  	_ =	shalt  }
0x84: {  	_ =	shalt  }
0x85: {  	_ =	shalt  }
0x86: {  	_ =	shalt  }
0x87: {  	_ =	shalt  }
.Lfunc_end0:
.L_simem_size_0:
called_computation_lowered:
.L_overlay_start_0:
0x88: {  	s2 =	sld [smem:$0x3FD9]  }
0x89: {  	s3 =	sld [smem:$0x3FFE];
	_ =	sdelay $0x1  }
0x8a: {  	s1 =	srdreg.scid  }
0x8b: {  	s0 =	sand.u32 $0x1, s1  }
0x8c: {  	s17 =	sshll.u32 s0, $0xA;
	s2 =	sadd.s32 s3, s2  }
0x8d: {  	s2 =	sadd.s32 s2, s17  }
0x8e: {  	[smem:$0x3FC6] =	sst s2  }
0x8f: {  	_ = 	snop  }
0x90: {  	s2 =	sld [smem:$0x3FD0];
	(tm) =	ssettm $0x1  }
0x91: {  	s18 =	sld [smem:$0x3FFB];
	_ =	sdelay $0x3  }
0x92: {  	_ =	strace s18  }
0x93: {  	s3 =	sld [smem:$0x3FFC];
	_ =	sdelay $0x3  }
0x94: {  	_ =	strace s3  }
0x95: {  	s3 =	sld [smem:$0x3FFD];
	_ =	sdelay $0x3  }
0x96: {  	_ =	strace s3  }
0x97: {  	_ =	strace $0x8FFFFFFF  }
0x98: {  	s19 =	sld [smem:$0x3FDB];
	_ =	sdelay $0x1  }
0x99: {  	s4 =	simm.s32 $_scs_section_size  }
0x9a: {  	s5 =	simm.s32 $_size__tile_overlayer_lowered;
	s6 =	simm.s32 $_tile_overlayer_lowered  }
0x9b: {  	s22 =	simm.s32 $0x1BFF;
	s21 =	sshll.u32 s6, $0x1;
	s3 =	sadd.s32 s4, s19  }
0x9c: {  	s7 =	simm.s32 $0x0;
	s20 =	sshll.u32 s5, $0x1;
	s5 =	sadd.s32 s21, s3  }
0x9d: {  	[timem:s7], [sflag:s22] =	dma.local [hbm:s5], s20  }
0x9e: {  	_ =	swait.ge [sflag:s22], s20  }
0x9f: {  	s4 =	ssub.s32 $0x0, s20;
	[sflag:s22] =	ssyncset.done $0x0  }
0xa0: {  	[sflag:s22] =	ssyncadd.s32 s4;
	_ =	sdelay $0x1  }
0xa1: {  	s23 =	simm.s32 $0x1B8B  }
0xa2: {  	_ =	swait.ge [sflag:s23], $0x1  }
0xa3: {  	[sflag:s23] =	ssyncset.done $0x0  }
0xa4: {  	s25 =	simm.s32 $0x1B8E;
	s24 =	sld [smem:$0x3FFE];
	[sflag:s23] =	ssyncadd.s32 $0xFFFFFFFF  }
0xa5: {  	s26 =	simm.s32 $execute0_lowered;
	[smem:$0x3FD2] =	sst s25  }
0xa6: {  	s5 =	sshll.u32 s26, $0x1;
	_ =	strace $0x80000046;
	[dreg:$0x1] =	wrdreg $0xFFFFFFFF  }
0xa7: {  	s28 =	simm.s32 $_size_execute0_lowered;
	s3 =	sadd.s32 s3, s5;
	[dreg:$0x0] =	wrdreg $0x0  }
0xa8: {  	s5 =	sshll.u32 s28, $0x1;
	[dreg:$0x2] =	wrdreg s3  }
0xa9: {  	[dreg:$0x3] =	wrdreg s5  }
0xaa: {  	[dreg:$0x4] =	wrdreg $0xC0  }
0xab: {  	_ =	task [dreg:s7], $0x5FFFF  }
0xac: {  	[dreg:$0x1] =	wrdreg $0xFFFFFFFF  }
0xad: {  	[dreg:$0x0] =	wrdreg $0x60  }
0xae: {  	[dreg:$0x2] =	wrdreg s24  }
0xaf: {  	[dreg:$0x3] =	wrdreg s2  }
0xb0: {  	[dreg:$0x4] =	wrdreg $0x1D6F00  }
0xb1: {  	[dreg:$0x5] =	wrdreg $0x9  }
0xb2: {  	_ =	task.clear_ibuf [dreg:s7], $0x6FFFF;
	_ =	strace $0x90000046  }
0xb3: {  	s29 =	simm.s32 $0x9;
	_ =	strace $0x80000048  }
0xb4: {  	_ =	swait.ge [sflag:s29], $0x1  }
0xb5: {  	[sflag:s29] =	ssyncadd.s32 $0xFFFFFFFF  }
0xb6: {  	_ =	strace $0x90000048  }
0xb7: {  	_ =	sfence  }
0xb8: {  	s30 =	sld [smem:$0x0];
	_ =	sdelay $0x2  }
0xb9: {  	s31 =	sshll.u32 s1, $0xD;
	s1 =	sshrl.u32 s1, $0x2  }
0xba: {  	s3 =	sand.u32 $0x4000, s31;
	s1 =	sadd.s32 s1, s30  }
0xbb: {  	s0 =	sor.u32 s3, s0;
	s1 =	sshll.u32 s1, $0x11  }
0xbc: {  	s0 =	sor.u32 s1, s0  }
0xbd: {  	s0 =	sadd.s32 $0x8F2B, s0  }
0xbe: {  	[sflag:s0] =	ssyncadd.remote.s32 $0x1  }
0xbf: {  	_ =	sfence.sel $0xFFFF  }
0xc0: {  	[dreg:$0x0] =	wrdreg $0xFFFFFFFF;
	(pc) =	sbr.abs _section_cstart, $3  }
0xc1: {  	[dreg:$0x1] =	wrdreg $0xFFFFFFFF  }
0xc2: {  	_ =	task.clear_ibuf [dreg:s7], $0x2FFFF;
	_ =	strace $0x9FFFFFFF  }
0xc3: {  	(tm) =	ssettm $0x7FFFFFFF  }
tec
execute0_lowered:
.L_overlay_start_1:
0x0: {  	(tag) =	ssettag $0x1  }
0x1: {  	s1 =	srdreg.scid;
	s4 =	rddreg [dreg:$0x0]  }
0x2: {  	s0 =	stileid.u32;
	s13 =	rddreg [dreg:$0x1]  }
0x3: {  	s11 =	rddreg [dreg:$0x2];
	s16 =	simm.s32 $0x1;
	s17 =	simm.s32 $0x16B00  }
0x4: {  	s18 =	simm.s32 $0x19C00;
	s19 =	simm.s32 $0x1AFA0;
	s20 =	simm.s32 $0x1C340  }
0x5: {  	s22 =	simm.s32 $0x0;
	s3 =	sand.u32 $0x1, s1;
	s2 =	sshrl.u32 s0, $0x2  }
0x6: {  	s21 =	sand.u32 $0x3, s0;
	s25 =	sadd.s32 $0x1, s0;
	s26 =	sand.u32 $0xC, s0  }
0x7: {  	s7 =	smul.u32 $0x9D00, s0;
	s8 =	sadd.s32 $0xFFFFFFFF, s0;
	s28 =	sxor.u32 $0x2, s0  }
0x8: {  	s1 =	sshll.u32 s3, $0x2;
	s6 =	smul.u32 $0x3100, s21;
	s3 =	ssub.s32 $0x2, s3  }
0x9: {  	s8 =	sand.u32 $0x3, s8;
	s10 =	smul.u32 $0x9D00, s28;
	s12 =	sor.u32 s2, s1  }
0xa: {  	p0 =	sne.s32 s21, $0x0;
	s21 =	simm.s32 $0x1D6E0;
	s5 =	smul.u32 $0xC400, s12  }
0xb: {  	s1 =	rddreg [dreg:$0x3];
	s2 =	simm.s32 $0x0;
	s24 =	sshrl.u32 s3, $0x1  }
0xc: {  	s7 =	sshrl.u32 s7, $0x2;
	[smem:$0x7FF] =	sst s2;
	s5 =	sadd.s32 s6, s5  }
0xd: {  	s14 =	ssub.s32 s3, s24;
	s30 =	sshrl.u32 s10, $0x2;
	s5 =	sshrl.u32 s5, $0x3  }
0xe: {  	s6 =	sor.u32 s26, s8;
	s4 =	sadd.s32 s5, s4;
	s5 =	sand.u32 $0x3, s25  }
0xf: {  	s31 =	sshll.u32 s12, $0x1;
	s15 =	smul.u32 $0x9D00, s6;
	s5 =	sor.u32 s26, s5  }
0x10: {  	_ =	strace $0x80000047;
	s13 =	sadd.s32 s13, s31;
	s9 =	smul.u32 $0x9D00, s5  }
.Ltmp0:
0x11: {  	s14 =	smax.u32 s14, $0x1;
	s3 =	sadd.s32 $0x600, s4;
	(pc) =	sbr.rel .LBB2_1-.Ltmp0, $4  }
0x12: {  	s4 =	sadd.s32 $0xCA00, s4;
	s15 =	sshrl.u32 s15, $0x2;
	s5 =	sadd.s32 s7, s11  }
0x13: {  	s6 =	sadd.s32 $0x13A0, s5;
	s29 =	sshrl.u32 s9, $0x2;
	s9 =	sadd.s32 s30, s11  }
0x14: {  	v1 =	vlaneseq.u32;
	s7 =	sadd.s32 s29, s11;
	s10 =	sadd.s32 $0x13A0, s9;
	s11 =	sadd.s32 s15, s11  }
0x15: {  	v0 =	vimm.f32 $0.0e+00;
	v2 =	vimm.f32 $1.000000000e+00;
	v1 =	vmul.u32 $0x13A0, v1;
	s15 =	simm.s32 $0x13A00;
	s8 =	sadd.s32 $0x13A0, s7;
	s12 =	sadd.s32 $0x13A0, s11  }
.LBB2_28:
0x16: {  	v14 =	vmax.f32 v3, $1.000000000e+00  }
0x17: {  	(erf) = vrcp.f32 v14  }
0x18: {  	v46 =	vld [tilespmem:s24+$0x1AFA0];
	v15 =	vmax.f32 v4, $1.000000000e+00  }
0x19: {  	v9 =	vmul.f32 v13, v9;
	(erf) = vrcp.f32 v15  }
0x1a: {  	v47 =	vpop (erf);
	vm0 =	vgt.f32 v7, $0.0e+00;
	v48 =	vld [tilespmem:s24+$0x1AFB0]  }
0x1b: {  	v49 =	vsel vm0, $0x3F800000, v0;
	v10 =	vmul.f32 v47, v10;
	v9 =	vadd.f32 v9, v12  }
0x1c: {  	vm11 =	vgt.f32 v8, $0.0e+00;
	v52 =	vld [tilespmem:s23+$0x1AFA0];
	v51 =	vpop (erf);
	v50 =	vadd.f32 v49, v11  }
0x1d: {  	v53 =	vsel vm11, $0x3F800000, v0;
	v9 =	vadd.f32 v10, v9;
	v54 =	vmul.f32 v51, v46  }
0x1e: {  	vm12 =	vgt.f32 v6, $0.0e+00;
	v56 =	vld [tilespmem:s23+$0x1AFB0];
	v55 =	vpop (erf);
	v8 =	vadd.f32 v53, v50  }
0x1f: {  	v57 =	vsel vm12, $0x3F800000, v0;
	v6 =	vmul.f32 v55, v48;
	v9 =	vadd.f32 v54, v9  }
0x20: {  	vm13 =	vgt.f32 v5, $0.0e+00;
	v58 =	vadd.f32 v57, v8;
	v59 =	vpop (erf)  }
0x21: {  	v60 =	vsel vm13, $0x3F800000, v0;
	v6 =	vadd.f32 v6, v9;
	v7 =	vmul.f32 v59, v52  }
0x22: {  	vm14 =	vgt.f32 v3, $0.0e+00;
	v5 =	vadd.f32 v60, v58;
	v3 =	vpop (erf)  }
0x23: {  	v61 =	vsel vm14, $0x3F800000, v0;
	v3 =	vmul.f32 v3, v56;
	v6 =	vadd.f32 v7, v6  }
0x24: {  	vm15 =	vgt.f32 v4, $0.0e+00;
	v62 =	vadd.f32 v61, v5  }
0x25: {  	v63 =	vsel vm15, $0x3F800000, v0;
	v3 =	vadd.f32 v3, v6  }
0x26: {  	v4 =	vadd.f32 v63, v62  }
0x27: {  	(xrf2) =	vadd.scan.msk.f32 $0xffff, v3  }
0x28: {  	(xrf2) =	vadd.scan.msk.f32 $0xffff, v4;
	_ =	sdelay $0x8  }
0x29: {  	v3, _, _ =	vpop (xrf2)  }
0x2a: {  	v4, _, _ =	vpop (xrf2)  }
0x2b: {  	v4 =	vadd.f32 $0.0e+00, v4;
	_ =	sdelay $0x1  }
0x2c: {  	v4 =	vbroadcast v4, $0xF;
	_ =	sdelay $0x1  }
0x2d: {  	(erf) = vrcp.f32 v4;
	_ =	sdelay $0x5  }
0x2e: {  	v3 =	vadd.f32 $0.0e+00, v3;
	_ =	sdelay $0x1  }
0x2f: {  	v3 =	vbroadcast v3, $0xF  }
0x30: {  	v4 =	vpop (erf)  }
0x31: {  	v3 =	vmul.f32 v4, v3;
	_ =	sdelay $0x1  }
0x32: {  	[tilespmem:$0x1D6E0] =	vst v3  }
0x33: {  	[hbm4b:s13+s2] =	stream.linear.scatter [tilespmem:s21], [sflag:$0x1], $0x10, $0x38;
	[tilespmem:$0x1FE30] =	vst v63  }
0x34: {  	_ =	swait.ge [sflag:s16], $0x10  }
0x35: {  	[sflag:s16] =	ssyncset.done $0x0  }
0x36: {  	[sflag:s16] =	ssyncadd.s32 $0xFFFFFFF0  }
.LBB2_29:
0x37: {  	s22 =	sadd.s32 $0x1, s22  }
0x38: {  	p1 =	sne.s32 s22, s14  }
.Ltmp1:
0x39: {  	_ = 	snop;
	(pc) =	sbr.rel @!p1 .LBB2_30-.Ltmp1, $1  }
0x3a: {  	_ =	sdelay $0x3  }
.LBB2_1:
0x3b: {  	s23 =	simm.s32 $0x0;
	s24 =	simm.s32 $0x200  }
.LBB2_2:
0x3c: {  	p1 =	sne.s32 s24, $0x4E600;
	[tilespmem:s23+$0x70] =	vst v0  }
0x3d: {  	[tilespmem:s23+$0x0] =	vst v0  }
0x3e: {  	[tilespmem:s23+$0x10] =	vst v0  }
.Ltmp2:
0x3f: {  	[tilespmem:s23+$0x20] =	vst v0;
	(pc) =	sbr.rel @p1 .LBB2_2-.Ltmp2, $4  }
0x40: {  	[tilespmem:s23+$0x30] =	vst v0  }
0x41: {  	[tilespmem:s23+$0x40] =	vst v0  }
0x42: {  	[tilespmem:s23+$0x50] =	vst v0  }
0x43: {  	[tilespmem:s23+$0x60] =	vst v0;
	s23 =	sshra.s32 s24, $0x2;
	s24 =	sadd.s32 $0x200, s24  }
0x44: {  	[tilespmem:s23+$0x70] =	vst v0  }
0x45: {  	[tilespmem:s23+$0x0] =	vst v0  }
0x46: {  	[tilespmem:s23+$0x10] =	vst v0  }
0x47: {  	[tilespmem:s23+$0x20] =	vst v0  }
0x48: {  	[tilespmem:s23+$0x30] =	vst v0  }
0x49: {  	[tilespmem:s23+$0x40] =	vst v0  }
0x4a: {  	[tilespmem:s23+$0x50] =	vst v0  }
0x4b: {  	[tilespmem:s23+$0x60] =	vst v0;
	s23 =	simm.s32 $0x0  }
0x4c: {  	[tilespmem:s15], [sflag:$0x1] =	stream.linear.gather [hbm4b:s3+s23], $0x3100, $0x38;
	[tilespmem:$0x1FE30] =	vst v63  }
0x4d: {  	_ =	swait.ge [sflag:s16], $0x3100  }
0x4e: {  	[sflag:s16] =	ssyncset.done $0x0  }
0x4f: {  	[sflag:s16] =	ssyncadd.s32 $0xFFFFCF00  }
0x50: {  	[tilespmem:s17], [sflag:$0x1] =	stream.linear.gather [hbm4b:s4+s23], $0x3100, $0x38;
	[tilespmem:$0x1FE30] =	vst v63  }
0x51: {  	_ =	swait.ge [sflag:s16], $0x3100  }
0x52: {  	[sflag:s16] =	ssyncset.done $0x0  }
0x53: {  	s24 =	simm.s32 $0x0;
	[sflag:s16] =	ssyncadd.s32 $0xFFFFCF00  }
.LBB2_4:
0x54: {  	s25 =	sshra.s32 s24, $0x2  }
0x55: {  	v3 =	vld [tilespmem:s25+$0x13A00];
	_ =	sdelay $0x4  }
0x56: {  	v3 =	vadd.s32 v1, v3;
	_ =	sdelay $0x4  }
0x57: {  	[tilespmem:v3+s23+$0x0] =	vst.idx.add.f32.msk $0xffff, v2  }
0x58: {  	v3 =	vld [tilespmem:s25+$0x13A10];
	_ =	sdelay $0x4  }
0x59: {  	p1 =	sne.s32 s24, $0xC380;
	v3 =	vadd.s32 v1, v3  }
.Ltmp3:
0x5a: {  	_ = 	snop;
	(pc) =	sbr.rel @p1 .LBB2_4-.Ltmp3, $2  }
0x5b: {  	_ =	sdelay $0x2  }
0x5c: {  	s24 =	sadd.s32 $0x80, s24;
	[tilespmem:v3+s23+$0x0] =	vst.idx.add.f32.msk $0xffff, v2  }
0x5d: {  	s24 =	simm.s32 $0x0  }
0x5e: {  	v3 =	vld [tilespmem:s24+$0x0];
	[tilespmem:s24+$0x0] =	vst v0  }
0x5f: {  	v8 =	vld [tilespmem:s24+$0x13A0];
	[tilespmem:s24+$0x13A0] =	vst v0  }
0x60: {  	v9 =	vld [tilespmem:s24+$0x2740];
	[tilespmem:s24+$0x2740] =	vst v0  }
0x61: {  	v10 =	vld [tilespmem:s24+$0x3AE0];
	[tilespmem:s24+$0x3AE0] =	vst v0  }
0x62: {  	v11 =	vld [tilespmem:s24+$0x4E80];
	[tilespmem:s24+$0x4E80] =	vst v0  }
0x63: {  	v12 =	vld [tilespmem:s24+$0x6220];
	[tilespmem:s24+$0x6220] =	vst v0  }
0x64: {  	v13 =	vld [tilespmem:s24+$0x75C0];
	[tilespmem:s24+$0x75C0] =	vst v0  }
0x65: {  	v14 =	vld [tilespmem:s24+$0x8960];
	[tilespmem:s24+$0x8960] =	vst v0  }
0x66: {  	v16 =	vld [tilespmem:s24+$0x9D00];
	[tilespmem:s24+$0x9D00] =	vst v0  }
0x67: {  	v17 =	vld [tilespmem:s24+$0xB0A0];
	[tilespmem:s24+$0xB0A0] =	vst v0  }
0x68: {  	v18 =	vld [tilespmem:s24+$0xC440];
	[tilespmem:s24+$0xC440] =	vst v0  }
0x69: {  	v19 =	vld [tilespmem:s24+$0xD7E0];
	[tilespmem:s24+$0xD7E0] =	vst v0  }
0x6a: {  	v20 =	vld [tilespmem:s24+$0xEB80];
	[tilespmem:s24+$0xEB80] =	vst v0  }
0x6b: {  	v21 =	vld [tilespmem:s24+$0xFF20];
	[tilespmem:s24+$0xFF20] =	vst v0  }
0x6c: {  	v7 =	vld [tilespmem:s24+$0x112C0];
	[tilespmem:s24+$0x112C0] =	vst v0  }
0x6d: {  	v6 =	vld [tilespmem:s24+$0x12660];
	[tilespmem:s24+$0x12660] =	vst v0  }
0x6e: {  	v15 =	vld [tilespmem:s24+$0x10];
	[tilespmem:s24+$0x10] =	vst v0  }
0x6f: {  	v22 =	vld [tilespmem:s24+$0x13B0];
	[tilespmem:s24+$0x13B0] =	vst v0  }
0x70: {  	v23 =	vld [tilespmem:s24+$0x2750];
	[tilespmem:s24+$0x2750] =	vst v0  }
0x71: {  	v24 =	vld [tilespmem:s24+$0x3AF0];
	[tilespmem:s24+$0x3AF0] =	vst v0  }
0x72: {  	v25 =	vld [tilespmem:s24+$0x4E90];
	[tilespmem:s24+$0x4E90] =	vst v0  }
0x73: {  	v26 =	vld [tilespmem:s24+$0x6230];
	[tilespmem:s24+$0x6230] =	vst v0  }
0x74: {  	v27 =	vld [tilespmem:s24+$0x75D0];
	[tilespmem:s24+$0x75D0] =	vst v0  }
0x75: {  	v28 =	vld [tilespmem:s24+$0x8970];
	[tilespmem:s24+$0x8970] =	vst v0  }
0x76: {  	v29 =	vld [tilespmem:s24+$0x9D10];
	[tilespmem:s24+$0x9D10] =	vst v0  }
0x77: {  	v30 =	vld [tilespmem:s24+$0xB0B0];
	[tilespmem:s24+$0xB0B0] =	vst v0  }
0x78: {  	v31 =	vld [tilespmem:s24+$0xC450];
	[tilespmem:s24+$0xC450] =	vst v0  }
0x79: {  	v32 =	vld [tilespmem:s24+$0xD7F0];
	[tilespmem:s24+$0xD7F0] =	vst v0  }
0x7a: {  	v33 =	vld [tilespmem:s24+$0xEB90];
	[tilespmem:s24+$0xEB90] =	vst v0  }
0x7b: {  	v34 =	vld [tilespmem:s24+$0xFF30];
	[tilespmem:s24+$0xFF30] =	vst v0  }
0x7c: {  	v35 =	vld [tilespmem:s24+$0x112D0];
	[tilespmem:s24+$0x112D0] =	vst v0  }
0x7d: {  	s23 =	simm.s32 $0x20;
	v36 =	vld [tilespmem:s24+$0x12670];
	[tilespmem:s24+$0x12670] =	vst v0;
	v8 =	vadd.f32 v8, v3;
	v15 =	vadd.f32 v22, v15  }
0x7e: {  	v37 =	vld [tilespmem:s23+$0x0];
	[tilespmem:s23+$0x0] =	vst v0  }
0x7f: {  	v38 =	vld [tilespmem:s23+$0x13A0];
	[tilespmem:s23+$0x13A0] =	vst v0;
	v8 =	vadd.f32 v9, v8;
	v9 =	vadd.f32 v23, v15  }
0x80: {  	v39 =	vld [tilespmem:s23+$0x2740];
	[tilespmem:s23+$0x2740] =	vst v0  }
0x81: {  	v40 =	vld [tilespmem:s23+$0x3AE0];
	[tilespmem:s23+$0x3AE0] =	vst v0;
	v8 =	vadd.f32 v10, v8;
	v9 =	vadd.f32 v24, v9  }
0x82: {  	v41 =	vld [tilespmem:s23+$0x4E80];
	[tilespmem:s23+$0x4E80] =	vst v0  }
0x83: {  	v42 =	vld [tilespmem:s23+$0x6220];
	[tilespmem:s23+$0x6220] =	vst v0;
	v8 =	vadd.f32 v11, v8;
	v9 =	vadd.f32 v25, v9  }
0x84: {  	v43 =	vld [tilespmem:s23+$0x75C0];
	[tilespmem:s23+$0x75C0] =	vst v0;
	v10 =	vadd.f32 v38, v37  }
0x85: {  	v44 =	vld [tilespmem:s23+$0x8960];
	[tilespmem:s23+$0x8960] =	vst v0;
	v8 =	vadd.f32 v12, v8;
	v9 =	vadd.f32 v26, v9  }
0x86: {  	v45 =	vld [tilespmem:s23+$0x9D00];
	[tilespmem:s23+$0x9D00] =	vst v0;
	v10 =	vadd.f32 v39, v10  }
0x87: {  	v46 =	vld [tilespmem:s23+$0xB0A0];
	[tilespmem:s23+$0xB0A0] =	vst v0;
	v8 =	vadd.f32 v13, v8;
	v9 =	vadd.f32 v27, v9  }
0x88: {  	v47 =	vld [tilespmem:s23+$0xC440];
	[tilespmem:s23+$0xC440] =	vst v0;
	v10 =	vadd.f32 v40, v10  }
0x89: {  	v48 =	vld [tilespmem:s23+$0xD7E0];
	[tilespmem:s23+$0xD7E0] =	vst v0;
	v8 =	vadd.f32 v14, v8;
	v9 =	vadd.f32 v28, v9  }
0x8a: {  	v49 =	vld [tilespmem:s23+$0xEB80];
	[tilespmem:s23+$0xEB80] =	vst v0;
	v10 =	vadd.f32 v41, v10  }
0x8b: {  	v5 =	vld [tilespmem:s23+$0xFF20];
	[tilespmem:s23+$0xFF20] =	vst v0;
	v8 =	vadd.f32 v16, v8;
	v9 =	vadd.f32 v29, v9  }
0x8c: {  	v4 =	vld [tilespmem:s23+$0x112C0];
	[tilespmem:s23+$0x112C0] =	vst v0;
	v10 =	vadd.f32 v42, v10  }
0x8d: {  	v59 =	vld [tilespmem:s23+$0x10];
	[tilespmem:s23+$0x10] =	vst v0;
	v8 =	vadd.f32 v17, v8;
	v9 =	vadd.f32 v30, v9  }
0x8e: {  	v60 =	vld [tilespmem:s23+$0x13B0];
	[tilespmem:s23+$0x13B0] =	vst v0;
	v10 =	vadd.f32 v43, v10  }
0x8f: {  	v61 =	vld [tilespmem:s23+$0x2750];
	[tilespmem:s23+$0x2750] =	vst v0;
	v8 =	vadd.f32 v18, v8;
	v9 =	vadd.f32 v31, v9  }
0x90: {  	v62 =	vld [tilespmem:s23+$0x3AF0];
	[tilespmem:s23+$0x3AF0] =	vst v0;
	v14 =	vadd.f32 v44, v10  }
0x91: {  	v63 =	vld [tilespmem:s23+$0x4E90];
	[tilespmem:s23+$0x4E90] =	vst v0;
	v8 =	vadd.f32 v19, v8;
	v9 =	vadd.f32 v32, v9  }
0x92: {  	v3 =	vld [tilespmem:s23+$0x12660];
	[tilespmem:s23+$0x12660] =	vst v0;
	v14 =	vadd.f32 v45, v14  }
0x93: {  	v15 =	vld [tilespmem:s23+$0x6230];
	[tilespmem:s23+$0x6230] =	vst v0;
	v8 =	vadd.f32 v20, v8;
	v16 =	vadd.f32 v33, v9  }
0x94: {  	v11 =	vld [tilespmem:s23+$0x9D10];
	[tilespmem:s23+$0x9D10] =	vst v0;
	v17 =	vadd.f32 v60, v59;
	v14 =	vadd.f32 v46, v14  }
0x95: {  	v12 =	vld [tilespmem:s23+$0x8970];
	[tilespmem:s23+$0x8970] =	vst v0;
	v18 =	vadd.f32 v21, v8;
	v16 =	vadd.f32 v34, v16  }
0x96: {  	v13 =	vld [tilespmem:s23+$0x75D0];
	[tilespmem:s23+$0x75D0] =	vst v0;
	v17 =	vadd.f32 v61, v17;
	v14 =	vadd.f32 v47, v14  }
0x97: {  	v10 =	vld [tilespmem:s23+$0xB0B0];
	[tilespmem:s23+$0xB0B0] =	vst v0;
	v18 =	vadd.f32 v7, v18;
	v16 =	vadd.f32 v35, v16  }
0x98: {  	v9 =	vld [tilespmem:s23+$0xC450];
	[tilespmem:s23+$0xC450] =	vst v0;
	v20 =	vadd.f32 v62, v17;
	v19 =	vadd.f32 v48, v14  }
0x99: {  	v8 =	vld [tilespmem:s23+$0xD7F0];
	[tilespmem:s23+$0xD7F0] =	vst v0;
	v14 =	vadd.f32 v6, v18;
	v17 =	vadd.f32 v36, v16  }
0x9a: {  	v7 =	vld [tilespmem:s23+$0xEB90];
	[tilespmem:s23+$0xEB90] =	vst v0;
	v16 =	vadd.f32 v49, v19;
	v18 =	vadd.f32 v63, v20  }
0x9b: {  	s25 =	simm.s32 $0x100;
	s26 =	simm.s32 $0x180;
	v6 =	vld [tilespmem:s23+$0xFF30];
	[tilespmem:s23+$0xFF30] =	vst v0  }
.LBB2_6:
0x9c: {  	p1 =	sne.s32 s26, $0x4E00;
	v5 =	vadd.f32 v5, v16;
	v15 =	vadd.f32 v15, v18;
	v16 =	vld [tilespmem:s23+$0x112D0];
	[tilespmem:s23+$0x112D0] =	vst v0  }
0x9d: {  	v18 =	vld [tilespmem:s23+$0x12670];
	[tilespmem:s23+$0x12670] =	vst v0  }
0x9e: {  	v4 =	vadd.f32 v4, v5;
	v5 =	vadd.f32 v13, v15;
	[tilespmem:s24+$0x19C00] =	vst v14  }
0x9f: {  	[tilespmem:s24+$0x19C10] =	vst v17;
	s24 =	smov.u32 s23;
	s23 =	sshra.s32 s25, $0x2;
	s25 =	smov.u32 s26  }
0xa0: {  	v13 =	vld [tilespmem:s23+$0x0];
	[tilespmem:s23+$0x0] =	vst v0;
	v14 =	vadd.f32 v3, v4;
	v3 =	vadd.f32 v12, v5  }
0xa1: {  	v4 =	vld [tilespmem:s23+$0x13A0];
	[tilespmem:s23+$0x13A0] =	vst v0  }
0xa2: {  	v5 =	vld [tilespmem:s23+$0x2740];
	[tilespmem:s23+$0x2740] =	vst v0;
	v3 =	vadd.f32 v11, v3  }
0xa3: {  	v11 =	vld [tilespmem:s23+$0x3AE0];
	[tilespmem:s23+$0x3AE0] =	vst v0  }
0xa4: {  	v12 =	vld [tilespmem:s23+$0x4E80];
	[tilespmem:s23+$0x4E80] =	vst v0;
	v3 =	vadd.f32 v10, v3  }
0xa5: {  	v10 =	vld [tilespmem:s23+$0x6220];
	[tilespmem:s23+$0x6220] =	vst v0  }
0xa6: {  	v4 =	vadd.f32 v4, v13;
	v13 =	vld [tilespmem:s23+$0x75C0];
	[tilespmem:s23+$0x75C0] =	vst v0;
	v3 =	vadd.f32 v9, v3  }
0xa7: {  	v9 =	vld [tilespmem:s23+$0x8960];
	[tilespmem:s23+$0x8960] =	vst v0  }
0xa8: {  	v4 =	vadd.f32 v5, v4;
	v15 =	vld [tilespmem:s23+$0x9D00];
	[tilespmem:s23+$0x9D00] =	vst v0;
	v3 =	vadd.f32 v8, v3  }
0xa9: {  	v8 =	vld [tilespmem:s23+$0xB0A0];
	[tilespmem:s23+$0xB0A0] =	vst v0  }
0xaa: {  	v4 =	vadd.f32 v11, v4;
	v11 =	vld [tilespmem:s23+$0xC440];
	[tilespmem:s23+$0xC440] =	vst v0;
	v3 =	vadd.f32 v7, v3  }
0xab: {  	v7 =	vld [tilespmem:s23+$0xD7E0];
	[tilespmem:s23+$0xD7E0] =	vst v0  }
0xac: {  	v4 =	vadd.f32 v12, v4;
	v19 =	vld [tilespmem:s23+$0xEB80];
	[tilespmem:s23+$0xEB80] =	vst v0;
	v3 =	vadd.f32 v6, v3  }
0xad: {  	v5 =	vld [tilespmem:s23+$0xFF20];
	[tilespmem:s23+$0xFF20] =	vst v0  }
0xae: {  	v6 =	vadd.f32 v10, v4;
	v4 =	vld [tilespmem:s23+$0x112C0];
	[tilespmem:s23+$0x112C0] =	vst v0;
	v10 =	vadd.f32 v16, v3  }
0xaf: {  	v3 =	vld [tilespmem:s23+$0x12660];
	[tilespmem:s23+$0x12660] =	vst v0  }
0xb0: {  	v6 =	vadd.f32 v13, v6;
	v12 =	vld [tilespmem:s23+$0x10];
	[tilespmem:s23+$0x10] =	vst v0;
	v17 =	vadd.f32 v18, v10  }
0xb1: {  	v10 =	vld [tilespmem:s23+$0x13B0];
	[tilespmem:s23+$0x13B0] =	vst v0  }
0xb2: {  	v6 =	vadd.f32 v9, v6;
	v9 =	vld [tilespmem:s23+$0x2750];
	[tilespmem:s23+$0x2750] =	vst v0  }
0xb3: {  	v16 =	vld [tilespmem:s23+$0x3AF0];
	[tilespmem:s23+$0x3AF0] =	vst v0  }
0xb4: {  	v6 =	vadd.f32 v15, v6;
	v18 =	vld [tilespmem:s23+$0x4E90];
	[tilespmem:s23+$0x4E90] =	vst v0  }
0xb5: {  	v15 =	vld [tilespmem:s23+$0x6230];
	[tilespmem:s23+$0x6230] =	vst v0  }
0xb6: {  	v6 =	vadd.f32 v8, v6;
	v8 =	vadd.f32 v10, v12;
	v13 =	vld [tilespmem:s23+$0x75D0];
	[tilespmem:s23+$0x75D0] =	vst v0  }
0xb7: {  	v12 =	vld [tilespmem:s23+$0x8970];
	[tilespmem:s23+$0x8970] =	vst v0  }
0xb8: {  	v6 =	vadd.f32 v11, v6;
	v8 =	vadd.f32 v9, v8;
	v11 =	vld [tilespmem:s23+$0x9D10];
	[tilespmem:s23+$0x9D10] =	vst v0  }
.Ltmp4:
0xb9: {  	v10 =	vld [tilespmem:s23+$0xB0B0];
	[tilespmem:s23+$0xB0B0] =	vst v0;
	(pc) =	sbr.rel @p1 .LBB2_6-.Ltmp4, $4  }
0xba: {  	v6 =	vadd.f32 v7, v6;
	v7 =	vadd.f32 v16, v8;
	v9 =	vld [tilespmem:s23+$0xC450];
	[tilespmem:s23+$0xC450] =	vst v0  }
0xbb: {  	v8 =	vld [tilespmem:s23+$0xD7F0];
	[tilespmem:s23+$0xD7F0] =	vst v0  }
0xbc: {  	v16 =	vadd.f32 v19, v6;
	v18 =	vadd.f32 v18, v7;
	v7 =	vld [tilespmem:s23+$0xEB90];
	[tilespmem:s23+$0xEB90] =	vst v0  }
0xbd: {  	s26 =	sadd.s32 $0x80, s26;
	v6 =	vld [tilespmem:s23+$0xFF30];
	[tilespmem:s23+$0xFF30] =	vst v0  }
0xbe: {  	v19 =	vld [tilespmem:s23+$0x112D0];
	[tilespmem:s23+$0x112D0] =	vst v0  }
0xbf: {  	v20 =	vld [tilespmem:s23+$0x12670];
	[tilespmem:s23+$0x12670] =	vst v0  }
0xc0: {  	[tilespmem:s24+$0x19C00] =	vst v14  }
0xc1: {  	s25 =	sshra.s32 s25, $0x2;
	[tilespmem:s24+$0x19C10] =	vst v17  }
0xc2: {  	v14 =	vld [tilespmem:s25+$0x0]  }
0xc3: {  	v17 =	vld [tilespmem:s25+$0x13A0]  }
0xc4: {  	v21 =	vld [tilespmem:s25+$0x2740]  }
0xc5: {  	v22 =	vld [tilespmem:s25+$0x3AE0]  }
0xc6: {  	v23 =	vld [tilespmem:s25+$0x4E80]  }
0xc7: {  	v24 =	vld [tilespmem:s25+$0x6220]  }
0xc8: {  	v25 =	vld [tilespmem:s25+$0x75C0]  }
0xc9: {  	v26 =	vld [tilespmem:s25+$0x8960]  }
0xca: {  	v28 =	vld [tilespmem:s25+$0x10]  }
0xcb: {  	[tilespmem:s25+$0x0] =	vst v0;
	v29 =	vld [tilespmem:s25+$0x13B0]  }
0xcc: {  	v27 =	vld [tilespmem:s25+$0x9D00];
	[tilespmem:s25+$0x13A0] =	vst v0  }
0xcd: {  	[tilespmem:s25+$0x2740] =	vst v0;
	v31 =	vld [tilespmem:s25+$0x2750]  }
0xce: {  	v30 =	vld [tilespmem:s25+$0xB0A0];
	[tilespmem:s25+$0x3AE0] =	vst v0  }
0xcf: {  	[tilespmem:s25+$0x4E80] =	vst v0;
	v59 =	vld [tilespmem:s25+$0x3AF0];
	v14 =	vadd.f32 v17, v14  }
0xd0: {  	v32 =	vld [tilespmem:s25+$0xC440];
	[tilespmem:s25+$0x6220] =	vst v0;
	v28 =	vadd.f32 v29, v28  }
0xd1: {  	[tilespmem:s25+$0x75C0] =	vst v0;
	v61 =	vld [tilespmem:s25+$0x4E90];
	v14 =	vadd.f32 v21, v14  }
0xd2: {  	v60 =	vld [tilespmem:s25+$0xD7E0];
	[tilespmem:s25+$0x8960] =	vst v0;
	v28 =	vadd.f32 v31, v28  }
0xd3: {  	[tilespmem:s25+$0x9D00] =	vst v0;
	v63 =	vld [tilespmem:s25+$0x6230];
	v14 =	vadd.f32 v22, v14  }
0xd4: {  	v62 =	vld [tilespmem:s25+$0xEB80];
	[tilespmem:s25+$0xB0A0] =	vst v0;
	v17 =	vadd.f32 v59, v28  }
0xd5: {  	[tilespmem:s25+$0xC440] =	vst v0;
	v34 =	vld [tilespmem:s25+$0x75D0];
	v14 =	vadd.f32 v23, v14  }
0xd6: {  	v15 =	vadd.f32 v15, v18;
	v33 =	vld [tilespmem:s25+$0xFF20];
	[tilespmem:s25+$0xD7E0] =	vst v0;
	v17 =	vadd.f32 v61, v17  }
0xd7: {  	[tilespmem:s25+$0xEB80] =	vst v0;
	v36 =	vld [tilespmem:s25+$0x8970];
	v14 =	vadd.f32 v24, v14  }
0xd8: {  	v35 =	vld [tilespmem:s25+$0x112C0];
	v13 =	vadd.f32 v13, v15;
	[tilespmem:s25+$0xFF20] =	vst v0;
	v37 =	vadd.f32 v63, v17  }
0xd9: {  	[tilespmem:s25+$0x112C0] =	vst v0;
	v39 =	vld [tilespmem:s25+$0x9D10];
	v14 =	vadd.f32 v25, v14  }
0xda: {  	v38 =	vld [tilespmem:s25+$0x12660];
	[tilespmem:s25+$0x12660] =	vst v0;
	v12 =	vadd.f32 v12, v13;
	v40 =	vadd.f32 v34, v37  }
0xdb: {  	[tilespmem:s25+$0x10] =	vst v0;
	v41 =	vld [tilespmem:s25+$0xB0B0];
	v14 =	vadd.f32 v26, v14  }
0xdc: {  	[tilespmem:s25+$0x13B0] =	vst v0;
	v11 =	vadd.f32 v11, v12;
	v42 =	vadd.f32 v36, v40  }
0xdd: {  	[tilespmem:s25+$0x2750] =	vst v0;
	v44 =	vld [tilespmem:s25+$0xC450];
	v43 =	vadd.f32 v27, v14  }
0xde: {  	[tilespmem:s25+$0x3AF0] =	vst v0;
	v10 =	vadd.f32 v10, v11;
	v45 =	vadd.f32 v39, v42  }
0xdf: {  	[tilespmem:s25+$0x4E90] =	vst v0;
	v47 =	vld [tilespmem:s25+$0xD7F0];
	v46 =	vadd.f32 v30, v43  }
0xe0: {  	[tilespmem:s25+$0x6230] =	vst v0;
	v9 =	vadd.f32 v9, v10;
	v48 =	vadd.f32 v41, v45  }
0xe1: {  	[tilespmem:s25+$0x75D0] =	vst v0;
	v50 =	vld [tilespmem:s25+$0xEB90];
	v49 =	vadd.f32 v32, v46  }
0xe2: {  	[tilespmem:s25+$0x8970] =	vst v0;
	v8 =	vadd.f32 v8, v9;
	v51 =	vadd.f32 v44, v48  }
0xe3: {  	[tilespmem:s25+$0x9D10] =	vst v0;
	v53 =	vld [tilespmem:s25+$0xFF30];
	v52 =	vadd.f32 v60, v49  }
0xe4: {  	[tilespmem:s25+$0xB0B0] =	vst v0;
	v7 =	vadd.f32 v7, v8;
	v54 =	vadd.f32 v47, v51  }
0xe5: {  	v5 =	vadd.f32 v5, v16;
	[tilespmem:s25+$0xC450] =	vst v0;
	v56 =	vld [tilespmem:s25+$0x112D0];
	v55 =	vadd.f32 v62, v52  }
0xe6: {  	[tilespmem:s25+$0xD7F0] =	vst v0;
	v6 =	vadd.f32 v6, v7;
	v57 =	vadd.f32 v50, v54  }
0xe7: {  	v4 =	vadd.f32 v4, v5;
	[tilespmem:s25+$0xEB90] =	vst v0;
	v59 =	vld [tilespmem:s25+$0x12670];
	v58 =	vadd.f32 v33, v55  }
0xe8: {  	[tilespmem:s25+$0xFF30] =	vst v0;
	v6 =	vadd.f32 v19, v6;
	v7 =	vadd.f32 v53, v57  }
0xe9: {  	[tilespmem:s25+$0x112D0] =	vst v0;
	v3 =	vadd.f32 v3, v4;
	v60 =	vadd.f32 v35, v58  }
0xea: {  	[tilespmem:s25+$0x12670] =	vst v0;
	v61 =	vadd.f32 v20, v6;
	v62 =	vadd.f32 v56, v7  }
0xeb: {  	[tilespmem:s23+$0x19C00] =	vst v3;
	v3 =	vadd.f32 v38, v60  }
0xec: {  	[tilespmem:s23+$0x19C10] =	vst v61;
	v63 =	vadd.f32 v59, v62  }
0xed: {  	[tilespmem:s25+$0x19C00] =	vst v3  }
0xee: {  	s24 =	simm.s32 $0x0;
	s23 =	simm.s32 $0x0;
	[tilespmem:s25+$0x19C10] =	vst v63  }
.LBB2_8:
0xef: {  	s25 =	sshra.s32 s24, $0x2  }
0xf0: {  	v3 =	vld [tilespmem:s25+$0x13A00];
	_ =	sdelay $0x4  }
0xf1: {  	v4 =	vld [tilespmem:s25+$0x16B00];
	v3 =	vadd.s32 v1, v3;
	_ =	sdelay $0x4  }
0xf2: {  	[tilespmem:v3+s23+$0x0] =	vst.idx.add.f32.msk $0xffff, v4  }
0xf3: {  	v3 =	vld [tilespmem:s25+$0x13A10];
	_ =	sdelay $0x4  }
0xf4: {  	p1 =	sne.s32 s24, $0xC380;
	v4 =	vld [tilespmem:s25+$0x16B10];
	v3 =	vadd.s32 v1, v3  }
.Ltmp5:
0xf5: {  	_ = 	snop;
	(pc) =	sbr.rel @p1 .LBB2_8-.Ltmp5, $2  }
0xf6: {  	_ =	sdelay $0x2  }
0xf7: {  	s24 =	sadd.s32 $0x80, s24;
	[tilespmem:v3+s23+$0x0] =	vst.idx.add.f32.msk $0xffff, v4  }
0xf8: {  	p2 =	por $0x1, $0x1  }
.Ltmp6:
0xf9: {  	_ = 	snop;
	(pc) =	sbr.rel @!p2 .LBB2_10-.Ltmp6, $3  }
0xfa: {  	_ =	sdelay $0x1  }
0xfb: {  	s23 =	simm.s32 $0x0  }
0xfc: {  	p1 =	por $0x0, $0x0;
	v3 =	vld [tilespmem:s23+$0x10]  }
0xfd: {  	v4 =	vld [tilespmem:s23+$0x13B0]  }
0xfe: {  	v5 =	vld [tilespmem:s23+$0x0]  }
0xff: {  	v6 =	vld [tilespmem:s23+$0x2750]  }
0x100: {  	v7 =	vld [tilespmem:s23+$0x13A0]  }
0x101: {  	v8 =	vld [tilespmem:s23+$0x3AF0]  }
0x102: {  	v9 =	vld [tilespmem:s23+$0x2740];
	v3 =	vadd.f32 v4, v3  }
0x103: {  	v4 =	vld [tilespmem:s23+$0x4E90]  }
0x104: {  	v10 =	vld [tilespmem:s23+$0x3AE0];
	v3 =	vadd.f32 v6, v3  }
0x105: {  	v5 =	vadd.f32 v7, v5;
	v6 =	vld [tilespmem:s23+$0x6230]  }
0x106: {  	v7 =	vld [tilespmem:s23+$0x4E80];
	v3 =	vadd.f32 v8, v3  }
0x107: {  	v5 =	vadd.f32 v9, v5;
	v8 =	vld [tilespmem:s23+$0x75D0]  }
0x108: {  	v9 =	vld [tilespmem:s23+$0x6220];
	v3 =	vadd.f32 v4, v3  }
0x109: {  	v5 =	vadd.f32 v10, v5;
	v4 =	vld [tilespmem:s23+$0x8970]  }
0x10a: {  	v10 =	vld [tilespmem:s23+$0x75C0];
	v3 =	vadd.f32 v6, v3  }
0x10b: {  	v5 =	vadd.f32 v7, v5;
	v6 =	vld [tilespmem:s23+$0x9D10]  }
0x10c: {  	v7 =	vld [tilespmem:s23+$0x8960];
	v3 =	vadd.f32 v8, v3  }
0x10d: {  	v5 =	vadd.f32 v9, v5;
	v8 =	vld [tilespmem:s23+$0xB0B0]  }
0x10e: {  	v9 =	vld [tilespmem:s23+$0x9D00];
	v3 =	vadd.f32 v4, v3  }
0x10f: {  	v5 =	vadd.f32 v10, v5;
	v4 =	vld [tilespmem:s23+$0xC450]  }
0x110: {  	v10 =	vld [tilespmem:s23+$0xB0A0];
	v3 =	vadd.f32 v6, v3  }
0x111: {  	v5 =	vadd.f32 v7, v5;
	v6 =	vld [tilespmem:s23+$0xD7F0]  }
0x112: {  	v7 =	vld [tilespmem:s23+$0xC440];
	v3 =	vadd.f32 v8, v3  }
0x113: {  	v5 =	vadd.f32 v9, v5;
	v8 =	vld [tilespmem:s23+$0xEB90]  }
0x114: {  	v9 =	vld [tilespmem:s23+$0xD7E0];
	v3 =	vadd.f32 v4, v3  }
0x115: {  	v11 =	vld [tilespmem:s23+$0xFF30];
	v4 =	vadd.f32 v10, v5  }
0x116: {  	v10 =	vld [tilespmem:s23+$0xEB80];
	v3 =	vadd.f32 v6, v3  }
0x117: {  	v12 =	vld [tilespmem:s23+$0x112D0];
	p2 =	por $0x1, $0x1;
	v5 =	vadd.f32 v7, v4  }
.Ltmp7:
0x118: {  	v4 =	vld [tilespmem:s23+$0xFF20];
	v3 =	vadd.f32 v8, v3;
	(pc) =	sbr.rel @!p2 .LBB2_13-.Ltmp7, $4  }
0x119: {  	v6 =	vld [tilespmem:s23+$0x12670];
	v8 =	vadd.f32 v9, v5  }
0x11a: {  	v5 =	vld [tilespmem:s23+$0x112C0];
	v9 =	vadd.f32 v11, v3  }
0x11b: {  	s24 =	simm.s32 $0x20;
	v7 =	vld [tilespmem:s23+$0x12660];
	v8 =	vadd.f32 v10, v8  }
0x11c: {  	s25 =	simm.s32 $0x100;
	p1 =	por $0x1, $0x1;
	v3 =	vld [tilespmem:s24+$0x10];
	v9 =	vadd.f32 v12, v9  }
.LBB2_12:
0x11d: {  	p2 =	sne.s32 s25, $0x4E00;
	v10 =	vld [tilespmem:s24+$0x13B0];
	v4 =	vadd.f32 v4, v8  }
0x11e: {  	v8 =	vld [tilespmem:s24+$0x0];
	v6 =	vadd.f32 v6, v9  }
0x11f: {  	v9 =	vld [tilespmem:s24+$0x2750];
	v4 =	vadd.f32 v5, v4  }
0x120: {  	v5 =	vld [tilespmem:s24+$0x13A0];
	[tilespmem:s23+$0x1AFB0] =	vst v6  }
0x121: {  	v6 =	vld [tilespmem:s24+$0x3AF0];
	v4 =	vadd.f32 v7, v4  }
0x122: {  	v7 =	vld [tilespmem:s24+$0x2740];
	v3 =	vadd.f32 v10, v3  }
0x123: {  	v10 =	vld [tilespmem:s24+$0x4E90];
	[tilespmem:s23+$0x1AFA0] =	vst v4;
	s23 =	smov.u32 s24  }
0x124: {  	v4 =	vld [tilespmem:s23+$0x3AE0];
	v3 =	vadd.f32 v9, v3  }
0x125: {  	v5 =	vadd.f32 v5, v8;
	v8 =	vld [tilespmem:s23+$0x6230]  }
0x126: {  	v9 =	vld [tilespmem:s23+$0x4E80];
	v3 =	vadd.f32 v6, v3  }
0x127: {  	v5 =	vadd.f32 v7, v5;
	v6 =	vld [tilespmem:s23+$0x75D0]  }
0x128: {  	v7 =	vld [tilespmem:s23+$0x6220];
	v3 =	vadd.f32 v10, v3  }
0x129: {  	v4 =	vadd.f32 v4, v5;
	v5 =	vld [tilespmem:s23+$0x8970]  }
0x12a: {  	v10 =	vld [tilespmem:s23+$0x75C0];
	v3 =	vadd.f32 v8, v3  }
0x12b: {  	v4 =	vadd.f32 v9, v4;
	v8 =	vld [tilespmem:s23+$0x9D10]  }
0x12c: {  	v9 =	vld [tilespmem:s23+$0x8960];
	v3 =	vadd.f32 v6, v3  }
0x12d: {  	v4 =	vadd.f32 v7, v4;
	v6 =	vld [tilespmem:s23+$0xB0B0]  }
0x12e: {  	v7 =	vld [tilespmem:s23+$0x9D00];
	v3 =	vadd.f32 v5, v3  }
0x12f: {  	v4 =	vadd.f32 v10, v4;
	v5 =	vld [tilespmem:s23+$0xC450]  }
0x130: {  	v10 =	vld [tilespmem:s23+$0xB0A0];
	v3 =	vadd.f32 v8, v3  }
0x131: {  	v4 =	vadd.f32 v9, v4;
	v8 =	vld [tilespmem:s23+$0xD7F0]  }
0x132: {  	v9 =	vld [tilespmem:s23+$0xC440];
	v3 =	vadd.f32 v6, v3  }
0x133: {  	v4 =	vadd.f32 v7, v4;
	v6 =	vld [tilespmem:s23+$0xEB90]  }
0x134: {  	v7 =	vld [tilespmem:s23+$0xD7E0];
	v3 =	vadd.f32 v5, v3  }
0x135: {  	v4 =	vadd.f32 v10, v4;
	v10 =	vld [tilespmem:s23+$0xFF30]  }
0x136: {  	v11 =	vld [tilespmem:s23+$0xEB80];
	v3 =	vadd.f32 v8, v3  }
0x137: {  	v5 =	vadd.f32 v9, v4;
	v9 =	vld [tilespmem:s23+$0x112D0]  }
.Ltmp8:
0x138: {  	v4 =	vld [tilespmem:s23+$0xFF20];
	v3 =	vadd.f32 v6, v3;
	(pc) =	sbr.rel @p2 .LBB2_12-.Ltmp8, $4  }
0x139: {  	v7 =	vadd.f32 v7, v5;
	v6 =	vld [tilespmem:s23+$0x12670]  }
0x13a: {  	v5 =	vld [tilespmem:s23+$0x112C0];
	v10 =	vadd.f32 v10, v3  }
0x13b: {  	s24 =	sshra.s32 s25, $0x2;
	v8 =	vadd.f32 v11, v7;
	v7 =	vld [tilespmem:s23+$0x12660]  }
0x13c: {  	s25 =	sadd.s32 $0x80, s25;
	v3 =	vld [tilespmem:s24+$0x10];
	v9 =	vadd.f32 v9, v10  }
.LBB2_13:
0x13d: {  	v10 =	vld [tilespmem:s24+$0x13B0];
	v4 =	vadd.f32 @p1 v4, v8  }
0x13e: {  	v11 =	vld [tilespmem:s24+$0x0];
	v6 =	vadd.f32 @p1 v6, v9  }
0x13f: {  	v50 =	vld [tilespmem:s24+$0x2750];
	v4 =	vadd.f32 @p1 v5, v4  }
0x140: {  	v51 =	vld [tilespmem:s24+$0x13A0];
	[tilespmem:s23+$0x1AFB0] =	vst @p1 v6  }
0x141: {  	v5 =	vld [tilespmem:s24+$0x3AF0];
	v4 =	vadd.f32 @p1 v7, v4  }
0x142: {  	v6 =	vld [tilespmem:s24+$0x2740]  }
0x143: {  	v7 =	vld [tilespmem:s24+$0x4E90];
	[tilespmem:s23+$0x1AFA0] =	vst @p1 v4  }
0x144: {  	v3 =	vadd.f32 v10, v3;
	v4 =	vld [tilespmem:s24+$0x3AE0]  }
0x145: {  	v9 =	vadd.f32 v51, v11  }
0x146: {  	v3 =	vadd.f32 v50, v3;
	v52 =	vld [tilespmem:s24+$0x4E80]  }
0x147: {  	v53 =	vld [tilespmem:s24+$0x6230];
	v6 =	vadd.f32 v6, v9  }
0x148: {  	v3 =	vadd.f32 v5, v3;
	v5 =	vld [tilespmem:s24+$0x6220]  }
0x149: {  	v54 =	vld [tilespmem:s24+$0x75D0];
	v4 =	vadd.f32 v4, v6  }
0x14a: {  	v3 =	vadd.f32 v7, v3;
	v6 =	vld [tilespmem:s24+$0x75C0]  }
0x14b: {  	v7 =	vld [tilespmem:s24+$0x8970];
	v4 =	vadd.f32 v52, v4  }
0x14c: {  	v55 =	vld [tilespmem:s24+$0x8960];
	v3 =	vadd.f32 v53, v3  }
0x14d: {  	v56 =	vld [tilespmem:s24+$0x9D10];
	v4 =	vadd.f32 v5, v4  }
0x14e: {  	v3 =	vadd.f32 v54, v3;
	v5 =	vld [tilespmem:s24+$0x9D00]  }
0x14f: {  	v57 =	vld [tilespmem:s24+$0xB0B0];
	v4 =	vadd.f32 v6, v4  }
0x150: {  	v3 =	vadd.f32 v7, v3;
	v6 =	vld [tilespmem:s24+$0xB0A0]  }
0x151: {  	v7 =	vld [tilespmem:s24+$0xC450];
	v4 =	vadd.f32 v55, v4  }
0x152: {  	v58 =	vld [tilespmem:s24+$0xC440];
	v3 =	vadd.f32 v56, v3  }
0x153: {  	v59 =	vld [tilespmem:s24+$0xD7F0];
	v4 =	vadd.f32 v5, v4  }
0x154: {  	v3 =	vadd.f32 v57, v3;
	v5 =	vld [tilespmem:s24+$0xD7E0]  }
0x155: {  	v60 =	vld [tilespmem:s24+$0xEB90];
	v4 =	vadd.f32 v6, v4  }
0x156: {  	v3 =	vadd.f32 v7, v3;
	v6 =	vld [tilespmem:s24+$0xEB80]  }
0x157: {  	v7 =	vld [tilespmem:s24+$0xFF30];
	v4 =	vadd.f32 v58, v4  }
0x158: {  	v61 =	vld [tilespmem:s24+$0xFF20];
	v3 =	vadd.f32 v59, v3  }
0x159: {  	v62 =	vld [tilespmem:s24+$0x112D0];
	v4 =	vadd.f32 v5, v4  }
0x15a: {  	v3 =	vadd.f32 v60, v3;
	v5 =	vld [tilespmem:s24+$0x112C0]  }
0x15b: {  	v63 =	vld [tilespmem:s24+$0x12670];
	v4 =	vadd.f32 v6, v4  }
0x15c: {  	v3 =	vadd.f32 v7, v3;
	v6 =	vld [tilespmem:s24+$0x12660]  }
0x15d: {  	v4 =	vadd.f32 v61, v4  }
0x15e: {  	v3 =	vadd.f32 v62, v3  }
0x15f: {  	v4 =	vadd.f32 v5, v4  }
0x160: {  	v3 =	vadd.f32 v63, v3  }
0x161: {  	v4 =	vadd.f32 v6, v4  }
0x162: {  	[tilespmem:s24+$0x1AFB0] =	vst v3  }
0x163: {  	[tilespmem:s24+$0x1AFA0] =	vst v4  }
0x164: {  	[spmem:s5] =	stream.linear.scatter [tilespmem:s18], [sflag:$0x1], $0x13A0, $0x38;
	[tilespmem:$0x1FE30] =	vst v63  }
0x165: {  	_ =	swait.ge [sflag:s16], $0x13A0  }
0x166: {  	[sflag:s16] =	ssyncset.done $0x0  }
0x167: {  	[sflag:s16] =	ssyncadd.s32 $0xFFFFEC60  }
0x168: {  	[spmem:s6] =	stream.linear.scatter [tilespmem:s19], [sflag:$0x1], $0x13A0, $0x38;
	[tilespmem:$0x1FE30] =	vst v63  }
0x169: {  	_ =	swait.ge [sflag:s16], $0x13A0  }
0x16a: {  	[sflag:s16] =	ssyncset.done $0x0  }
0x16b: {  	[sflag:s16] =	ssyncadd.s32 $0xFFFFEC60  }
0x16c: {  	[bflag:$0x0] =	sbarrier.arrive $0xFFFF  }
0x16d: {  	[tilespmem:s20], [sflag:$0x1] =	stream.linear.gather [spmem:s7], $0x13A0, $0x38;
	[tilespmem:$0x1FE30] =	vst v63  }
0x16e: {  	_ =	swait.ge [sflag:s16], $0x13A0  }
0x16f: {  	[sflag:s16] =	ssyncset.done $0x0  }
0x170: {  	s23 =	simm.s32 $0x0;
	[sflag:s16] =	ssyncadd.s32 $0xFFFFEC60  }
0x171: {  	v3 =	vld [tilespmem:s23+$0x1C340]  }
0x172: {  	v4 =	vld [tilespmem:s23+$0x1C350]  }
0x173: {  	s24 =	simm.s32 $0x80;
	v5 =	vld [tilespmem:s23+$0x19C00]  }
.LBB2_14:
0x174: {  	p1 =	sne.s32 s24, $0x4E00;
	v6 =	vld [tilespmem:s23+$0x19C10];
	_ =	sdelay $0x2  }
.Ltmp9:
0x175: {  	(pc) =	sbr.rel @p1 .LBB2_14-.Ltmp9, $4  }
0x176: {  	s25 =	sshra.s32 s24, $0x2;
	v5 =	vadd.f32 v3, v5  }
0x177: {  	v3 =	vld [tilespmem:s25+$0x1C340];
	v6 =	vadd.f32 v4, v6  }
0x178: {  	v4 =	vld [tilespmem:s25+$0x1C350];
	[tilespmem:s23+$0x19C00] =	vst v5  }
0x179: {  	s24 =	sadd.s32 $0x80, s24;
	v5 =	vld [tilespmem:s25+$0x19C00];
	[tilespmem:s23+$0x19C10] =	vst v6;
	s23 =	smov.u32 s25  }
0x17a: {  	v6 =	vld [tilespmem:s23+$0x19C10];
	_ =	sdelay $0x3  }
0x17b: {  	v3 =	vadd.f32 v3, v5  }
0x17c: {  	v4 =	vadd.f32 v4, v6  }
0x17d: {  	[tilespmem:s23+$0x19C00] =	vst v3  }
0x17e: {  	[tilespmem:s23+$0x19C10] =	vst v4  }
0x17f: {  	[tilespmem:s20], [sflag:$0x1] =	stream.linear.gather [spmem:s8], $0x13A0, $0x38;
	[tilespmem:$0x1FE30] =	vst v63  }
0x180: {  	_ =	swait.ge [sflag:s16], $0x13A0  }
0x181: {  	[sflag:s16] =	ssyncset.done $0x0  }
0x182: {  	s23 =	simm.s32 $0x0;
	[sflag:s16] =	ssyncadd.s32 $0xFFFFEC60  }
0x183: {  	v3 =	vld [tilespmem:s23+$0x1C340]  }
0x184: {  	v4 =	vld [tilespmem:s23+$0x1C350]  }
0x185: {  	s24 =	simm.s32 $0x80;
	v5 =	vld [tilespmem:s23+$0x1AFA0]  }
.LBB2_16:
0x186: {  	p1 =	sne.s32 s24, $0x4E00;
	v6 =	vld [tilespmem:s23+$0x1AFB0];
	_ =	sdelay $0x2  }
.Ltmp10:
0x187: {  	(pc) =	sbr.rel @p1 .LBB2_16-.Ltmp10, $4  }
0x188: {  	s25 =	sshra.s32 s24, $0x2;
	v5 =	vadd.f32 v3, v5  }
0x189: {  	v3 =	vld [tilespmem:s25+$0x1C340];
	v6 =	vadd.f32 v4, v6  }
0x18a: {  	v4 =	vld [tilespmem:s25+$0x1C350];
	[tilespmem:s23+$0x1AFA0] =	vst v5  }
0x18b: {  	s24 =	sadd.s32 $0x80, s24;
	v5 =	vld [tilespmem:s25+$0x1AFA0];
	[tilespmem:s23+$0x1AFB0] =	vst v6;
	s23 =	smov.u32 s25  }
0x18c: {  	v6 =	vld [tilespmem:s23+$0x1AFB0];
	_ =	sdelay $0x3  }
0x18d: {  	v3 =	vadd.f32 v3, v5  }
0x18e: {  	v4 =	vadd.f32 v4, v6  }
0x18f: {  	[tilespmem:s23+$0x1AFA0] =	vst v3  }
0x190: {  	[tilespmem:s23+$0x1AFB0] =	vst v4  }
0x191: {  	[tilespmem:s20], [sflag:$0x1] =	stream.linear.gather [spmem:s9], $0x13A0, $0x38;
	[tilespmem:$0x1FE30] =	vst v63  }
0x192: {  	_ =	swait.ge [sflag:s16], $0x13A0  }
0x193: {  	[sflag:s16] =	ssyncset.done $0x0  }
0x194: {  	s23 =	simm.s32 $0x0;
	[sflag:s16] =	ssyncadd.s32 $0xFFFFEC60  }
0x195: {  	v3 =	vld [tilespmem:s23+$0x1C340]  }
0x196: {  	v4 =	vld [tilespmem:s23+$0x1C350]  }
0x197: {  	s24 =	simm.s32 $0x80;
	v5 =	vld [tilespmem:s23+$0x19C00]  }
.LBB2_18:
0x198: {  	p1 =	sne.s32 s24, $0x4E00;
	v6 =	vld [tilespmem:s23+$0x19C10];
	_ =	sdelay $0x2  }
.Ltmp11:
0x199: {  	(pc) =	sbr.rel @p1 .LBB2_18-.Ltmp11, $4  }
0x19a: {  	s25 =	sshra.s32 s24, $0x2;
	v5 =	vadd.f32 v3, v5  }
0x19b: {  	v3 =	vld [tilespmem:s25+$0x1C340];
	v6 =	vadd.f32 v4, v6  }
0x19c: {  	v4 =	vld [tilespmem:s25+$0x1C350];
	[tilespmem:s23+$0x19C00] =	vst v5  }
0x19d: {  	s24 =	sadd.s32 $0x80, s24;
	v5 =	vld [tilespmem:s25+$0x19C00];
	[tilespmem:s23+$0x19C10] =	vst v6;
	s23 =	smov.u32 s25  }
0x19e: {  	v6 =	vld [tilespmem:s23+$0x19C10];
	_ =	sdelay $0x3  }
0x19f: {  	v3 =	vadd.f32 v3, v5  }
0x1a0: {  	v4 =	vadd.f32 v4, v6  }
0x1a1: {  	[tilespmem:s23+$0x19C00] =	vst v3  }
0x1a2: {  	[tilespmem:s23+$0x19C10] =	vst v4  }
0x1a3: {  	[tilespmem:s20], [sflag:$0x1] =	stream.linear.gather [spmem:s10], $0x13A0, $0x38;
	[tilespmem:$0x1FE30] =	vst v63  }
0x1a4: {  	_ =	swait.ge [sflag:s16], $0x13A0  }
0x1a5: {  	[sflag:s16] =	ssyncset.done $0x0  }
0x1a6: {  	s23 =	simm.s32 $0x0;
	[sflag:s16] =	ssyncadd.s32 $0xFFFFEC60  }
0x1a7: {  	v3 =	vld [tilespmem:s23+$0x1C340]  }
0x1a8: {  	v4 =	vld [tilespmem:s23+$0x1C350]  }
0x1a9: {  	s24 =	simm.s32 $0x80;
	v5 =	vld [tilespmem:s23+$0x1AFA0]  }
.LBB2_20:
0x1aa: {  	p1 =	sne.s32 s24, $0x4E00;
	v6 =	vld [tilespmem:s23+$0x1AFB0];
	_ =	sdelay $0x2  }
.Ltmp12:
0x1ab: {  	(pc) =	sbr.rel @p1 .LBB2_20-.Ltmp12, $4  }
0x1ac: {  	s25 =	sshra.s32 s24, $0x2;
	v5 =	vadd.f32 v3, v5  }
0x1ad: {  	v3 =	vld [tilespmem:s25+$0x1C340];
	v6 =	vadd.f32 v4, v6  }
0x1ae: {  	v4 =	vld [tilespmem:s25+$0x1C350];
	[tilespmem:s23+$0x1AFA0] =	vst v5  }
0x1af: {  	s24 =	sadd.s32 $0x80, s24;
	v5 =	vld [tilespmem:s25+$0x1AFA0];
	[tilespmem:s23+$0x1AFB0] =	vst v6;
	s23 =	smov.u32 s25  }
0x1b0: {  	v6 =	vld [tilespmem:s23+$0x1AFB0];
	_ =	sdelay $0x3  }
0x1b1: {  	v3 =	vadd.f32 v3, v5  }
0x1b2: {  	v4 =	vadd.f32 v4, v6  }
0x1b3: {  	[tilespmem:s23+$0x1AFA0] =	vst v3  }
0x1b4: {  	[tilespmem:s23+$0x1AFB0] =	vst v4  }
0x1b5: {  	[tilespmem:s20], [sflag:$0x1] =	stream.linear.gather [spmem:s11], $0x13A0, $0x38;
	[tilespmem:$0x1FE30] =	vst v63  }
0x1b6: {  	_ =	swait.ge [sflag:s16], $0x13A0  }
0x1b7: {  	[sflag:s16] =	ssyncset.done $0x0  }
0x1b8: {  	s23 =	simm.s32 $0x0;
	[sflag:s16] =	ssyncadd.s32 $0xFFFFEC60  }
0x1b9: {  	v3 =	vld [tilespmem:s23+$0x1C340]  }
0x1ba: {  	v4 =	vld [tilespmem:s23+$0x1C350]  }
0x1bb: {  	s24 =	simm.s32 $0x80;
	v5 =	vld [tilespmem:s23+$0x19C00]  }
.LBB2_22:
0x1bc: {  	p1 =	sne.s32 s24, $0x4E00;
	v6 =	vld [tilespmem:s23+$0x19C10];
	_ =	sdelay $0x2  }
.Ltmp13:
0x1bd: {  	(pc) =	sbr.rel @p1 .LBB2_22-.Ltmp13, $4  }
0x1be: {  	s25 =	sshra.s32 s24, $0x2;
	v5 =	vadd.f32 v3, v5  }
0x1bf: {  	v3 =	vld [tilespmem:s25+$0x1C340];
	v6 =	vadd.f32 v4, v6  }
0x1c0: {  	v4 =	vld [tilespmem:s25+$0x1C350];
	[tilespmem:s23+$0x19C00] =	vst v5  }
0x1c1: {  	s24 =	sadd.s32 $0x80, s24;
	v5 =	vld [tilespmem:s25+$0x19C00];
	[tilespmem:s23+$0x19C10] =	vst v6;
	s23 =	smov.u32 s25  }
0x1c2: {  	v6 =	vld [tilespmem:s23+$0x19C10];
	_ =	sdelay $0x3  }
0x1c3: {  	v3 =	vadd.f32 v3, v5  }
0x1c4: {  	v4 =	vadd.f32 v4, v6  }
0x1c5: {  	[tilespmem:s23+$0x19C00] =	vst v3  }
0x1c6: {  	[tilespmem:s23+$0x19C10] =	vst v4  }
0x1c7: {  	[tilespmem:s20], [sflag:$0x1] =	stream.linear.gather [spmem:s12], $0x13A0, $0x38;
	[tilespmem:$0x1FE30] =	vst v63  }
0x1c8: {  	_ =	swait.ge [sflag:s16], $0x13A0  }
0x1c9: {  	[sflag:s16] =	ssyncset.done $0x0  }
0x1ca: {  	s23 =	simm.s32 $0x0;
	[sflag:s16] =	ssyncadd.s32 $0xFFFFEC60  }
0x1cb: {  	v3 =	vld [tilespmem:s23+$0x1C340]  }
0x1cc: {  	v4 =	vld [tilespmem:s23+$0x1C350]  }
0x1cd: {  	s24 =	simm.s32 $0x80;
	v5 =	vld [tilespmem:s23+$0x1AFA0]  }
.LBB2_24:
0x1ce: {  	p1 =	sne.s32 s24, $0x4E00;
	v6 =	vld [tilespmem:s23+$0x1AFB0];
	_ =	sdelay $0x2  }
.Ltmp14:
0x1cf: {  	(pc) =	sbr.rel @p1 .LBB2_24-.Ltmp14, $4  }
0x1d0: {  	s25 =	sshra.s32 s24, $0x2;
	v5 =	vadd.f32 v3, v5  }
0x1d1: {  	v3 =	vld [tilespmem:s25+$0x1C340];
	v6 =	vadd.f32 v4, v6  }
0x1d2: {  	v4 =	vld [tilespmem:s25+$0x1C350];
	[tilespmem:s23+$0x1AFA0] =	vst v5  }
0x1d3: {  	s24 =	sadd.s32 $0x80, s24;
	v5 =	vld [tilespmem:s25+$0x1AFA0];
	[tilespmem:s23+$0x1AFB0] =	vst v6;
	s23 =	smov.u32 s25  }
0x1d4: {  	v6 =	vld [tilespmem:s23+$0x1AFB0];
	_ =	sdelay $0x2  }
.Ltmp15:
0x1d5: {  	_ = 	snop;
	(pc) =	sbr.rel @p0 .LBB2_29-.Ltmp15, $4  }
0x1d6: {  	v3 =	vadd.f32 v3, v5  }
0x1d7: {  	v4 =	vadd.f32 v4, v6  }
0x1d8: {  	[tilespmem:s23+$0x1AFA0] =	vst v3  }
0x1d9: {  	[tilespmem:s23+$0x1AFB0] =	vst v4  }
0x1da: {  	s25 =	simm.s32 $0x0  }
0x1db: {  	v7 =	vld [tilespmem:s25+$0x19C00];
	_ =	sdelay $0x2  }
0x1dc: {  	v8 =	vld [tilespmem:s25+$0x19C10];
	_ =	sdelay $0x1  }
0x1dd: {  	s24 =	simm.s32 $0x20;
	v3 =	vmax.f32 v7, $1.000000000e+00  }
0x1de: {  	v6 =	vld [tilespmem:s24+$0x19C00];
	(erf) = vrcp.f32 v3;
	_ =	sdelay $0x1  }
0x1df: {  	v3 =	vmax.f32 v8, $1.000000000e+00  }
0x1e0: {  	v5 =	vld [tilespmem:s24+$0x19C10];
	(erf) = vrcp.f32 v3;
	_ =	sdelay $0x1  }
0x1e1: {  	s23 =	simm.s32 $0x40;
	v9 =	vld [tilespmem:s25+$0x1AFA0];
	v4 =	vmax.f32 v6, $1.000000000e+00  }
0x1e2: {  	v3 =	vld [tilespmem:s23+$0x19C00];
	(erf) = vrcp.f32 v4;
	_ =	sdelay $0x1  }
0x1e3: {  	v10 =	vld [tilespmem:s25+$0x1AFB0];
	v12 =	vmax.f32 v5, $1.000000000e+00  }
0x1e4: {  	v11 =	vimm.f32 $0.0e+00;
	s25 =	simm.s32 $0x180;
	v4 =	vld [tilespmem:s23+$0x19C10];
	(erf) = vrcp.f32 v12;
	v12 =	vimm.f32 $0.0e+00;
	v13 =	vpop (erf)  }
.LBB2_27:
0x1e5: {  	p1 =	sne.s32 s25, $0x4E00  }
.Ltmp16:
0x1e6: {  	s26 =	sshra.s32 s25, $0x2;
	v14 =	vmax.f32 v3, $1.000000000e+00;
	vm0 =	vgt.f32 v7, $0.0e+00;
	v13 =	vmul.f32 v13, v9;
	v9 =	vld [tilespmem:s24+$0x1AFA0];
	v7 =	vmovc v6;
	v6 =	vmovc v3;
	(pc) =	sbr.rel @p1 .LBB2_27-.Ltmp16, $4  }
0x1e7: {  	s25 =	sadd.s32 $0x80, s25;
	v3 =	vld [tilespmem:s26+$0x19C00];
	(erf) = vrcp.f32 v14;
	v14 =	vsel vm0, $0x3F800000, v0;
	vm0 =	vgt.f32 v8, $0.0e+00;
	v8 =	vpop (erf)  }
0x1e8: {  	v11 =	vadd.f32 v14, v11;
	v12 =	vadd.f32 v13, v12;
	v14 =	vmul.f32 v8, v10;
	v8 =	vmovc v5  }
0x1e9: {  	v16 =	vmax.f32 v4, $1.000000000e+00;
	v15 =	vsel vm0, $0x3F800000, v0;
	v5 =	vmov v4;
	v10 =	vld [tilespmem:s24+$0x1AFB0];
	s24 =	smov.u32 s23;
	s23 =	smov.u32 s26  }
0x1ea: {  	v4 =	vld [tilespmem:s23+$0x19C10];
	(erf) = vrcp.f32 v16;
	v13 =	vpop (erf);
	v11 =	vadd.f32 v15, v11;
	v12 =	vadd.f32 v14, v12  }
.Ltmp17:
0x1eb: {  	_ = 	snop;
	(pc) =	sbr.rel .LBB2_28-.Ltmp17, $1  }
0x1ec: {  	_ =	sdelay $0x3  }
.LBB2_10:
.Ltmp18:
0x1ed: {  	(pc) =	sbr.rel .LBB2_13-.Ltmp18, $2  }
0x1ee: {  	_ =	sdelay $0x2  }
0x1ef: {  	s24 =	simm.s32 $0x0  }
.LBB2_30:
0x1f0: {  	_ =	sfence.sel $0x180000  }
0x1f1: {  	[bflag:$0x0] =	sbarrier.arrive $0xFFFF  }
0x1f2: {  	p0 =	sne.s32 s0, $0x0;
	_ =	strace $0x90000047  }
0x1f3: {  	s0 =	sadd.s32 @!p0 $0x100000, s1;
	[bflag:$0x2] =	sbarrier.arrive $0xFFFF  }
0x1f4: {  	[sflag:s0] =	ssyncadd.tile.s32 @!p0 $0x1;
	_ =	shalt  }
.Lfunc_end2:
_tile_overlayer_lowered:
.L_overlay_start_2:
0x1f5: {  	(tag) =	ssettag $0x2  }
0x1f6: {  	s0 =	rddreg [dreg:$0x0];
	s2 =	stileid.u32  }
0x1f7: {  	s1 =	rddreg [dreg:$0x1];
	p0 =	sne.s32 s2, $0x0  }
0x1f8: {  	s3 =	rddreg [dreg:$0x2];
	[bflag:$0x3] =	sbarrier.arrive $0xFFFF;
	s2 =	simm.s32 @!p0 $0x1C01  }
0x1f9: {  	[timem:s3], [sflag:s2] =	dma.local @!p0 [hbm:s0], s1  }
0x1fa: {  	s0 =	simm.s32 @!p0 $0x1  }
0x1fb: {  	_ =	swait.ge @!p0 [sflag:s0], s1  }
0x1fc: {  	s1 =	ssub.s32 @!p0 $0x0, s1;
	[sflag:s0] =	ssyncset.done @!p0 $0x0  }
0x1fd: {  	[sflag:s0] =	ssyncadd.s32 @!p0 s1  }
0x1fe: {  	[bflag:$0x3] =	sbarrier.arrive $0xFFFF  }
0x1ff: {  	_ =	shalt  }

</sc_bundles>
